<compile_context>
chip_gen: v7x
topology: tpu7x:2x2x1
jax: 0.10.2.dev20260603
libtpu: 0.0.44.dev20260713+nightly
codegen_flags: <defaults>
</compile_context>

<pallas_src>
import functools

import jax
import jax.numpy as jnp
from jax import lax
from jax.experimental import pallas as pl
from jax.experimental.pallas import tpu as pltpu, tpu_sc as plsc

VOCAB = 1000000
D = 64
B = 16384
C = 20
K = 20

NC = 2
NS = 16
NW = NC * NS

ROWS_W = B // NW
R = 32
NCHUNK = ROWS_W // R
IDX_BLK = 128
NBLK = R * C // IDX_BLK


def _cbow_body(tgt_hbm, ctx_hbm, neg_hbm, iemb_hbm, oemb_hbm, out_hbm,
               idx_ctx_v, idx_neg_v, idx_tgt_v,
               ctx_rows_v, orow_v, out_v, sem):
    wid = lax.axis_index("s") * NC + lax.axis_index("c")
    lane = lax.iota(jnp.int32, 16)

    def chunk_body(ch, carry):
        row0 = wid * ROWS_W + ch * R
        off = row0 * C

        pltpu.sync_copy(ctx_hbm.at[pl.ds(off, R * C)], idx_ctx_v)
        pltpu.sync_copy(neg_hbm.at[pl.ds(off, R * K)], idx_neg_v)
        pltpu.sync_copy(tgt_hbm.at[pl.ds(row0, R)], idx_tgt_v)

        copies = []
        for j in range(NBLK):
            copies.append(pltpu.async_copy(
                iemb_hbm.at[idx_ctx_v.at[pl.ds(j * IDX_BLK, IDX_BLK)]],
                ctx_rows_v.at[pl.ds(j * IDX_BLK, IDX_BLK)], sem))
            copies.append(pltpu.async_copy(
                oemb_hbm.at[idx_neg_v.at[pl.ds(j * IDX_BLK, IDX_BLK)]],
                orow_v.at[pl.ds(j * IDX_BLK, IDX_BLK)], sem))
        copies.append(pltpu.async_copy(
            oemb_hbm.at[idx_tgt_v], orow_v.at[pl.ds(R * K, R)], sem))
        for cp in copies:
            cp.wait()

        def row_body(r, rcarry):
            base = r * C

            acc = [ctx_rows_v[base, pl.ds(j * 16, 16)] for j in range(4)]
            for c in range(1, C):
                for j in range(4):
                    acc[j] = acc[j] + ctx_rows_v[base + c, pl.ds(j * 16, 16)]
            inv_c = jnp.float32(1.0 / C)
            ctxv = [acc[j] * inv_c for j in range(4)]

            def dot(orow):
                v = ctxv[0] * orow_v[orow, pl.ds(0, 16)]
                for j in range(1, 4):
                    v = v + ctxv[j] * orow_v[orow, pl.ds(j * 16, 16)]
                return jnp.sum(v)

            acc1 = jnp.zeros((16,), jnp.float32)
            acc2 = jnp.where(lane == 4, dot(R * K + r),
                             jnp.zeros((16,), jnp.float32))
            for k in range(K):
                s = dot(base + k)
                if k < 16:
                    acc1 = jnp.where(lane == k, s, acc1)
                else:
                    acc2 = jnp.where(lane == k - 16, s, acc2)
            out_v[r, pl.ds(0, 16)] = acc1
            out_v[r, pl.ds(16, 16)] = acc2
            return rcarry

        lax.fori_loop(0, R, row_body, 0)
        pltpu.sync_copy(out_v, out_hbm.at[pl.ds(row0, R)])
        return carry

    lax.fori_loop(0, NCHUNK, chunk_body, 0)


@functools.partial(jax.jit, static_argnums=())
def _cbow_sc(tgt, ctx, neg, input_emb, output_emb):
    mesh = plsc.VectorSubcoreMesh(core_axis_name="c", subcore_axis_name="s")
    params = pltpu.CompilerParams(needs_layout_passes=False,
                                  use_tc_tiling_on_sc=False)
    k = pl.kernel(
        _cbow_body,
        mesh=mesh,
        compiler_params=params,
        out_type=jax.ShapeDtypeStruct((B, 32), jnp.float32),
        scratch_types=[
            pltpu.VMEM((R * C,), jnp.int32),
            pltpu.VMEM((R * K,), jnp.int32),
            pltpu.VMEM((R,), jnp.int32),
            pltpu.VMEM((R * C, D), jnp.float32),
            pltpu.VMEM((R * K + R, D), jnp.float32),
            pltpu.VMEM((R, 32), jnp.float32),
            pltpu.SemaphoreType.DMA,
        ],
    )
    return k(tgt, ctx, neg, input_emb, output_emb)


def kernel(target_ids, context_ids, negative_ids, input_emb, output_emb):
    tgt = target_ids.astype(jnp.int32)
    ctx = context_ids.astype(jnp.int32).reshape(B * C)
    neg = negative_ids.astype(jnp.int32).reshape(B * K)
    out = _cbow_sc(tgt, ctx, neg, input_emb, output_emb)
    return (out[:, K], out[:, :K])

# --- scband reference (transcript-rebuilt; emitter-appended) ---
"""Pipeline reference for scband-cbowmodel-85770496901639 (READ-ONLY COPY).

The authoritative reference and input builder live on the scoring server;
editing this copy changes nothing except your own understanding.
"""

import jax, jax.numpy as jnp
import numpy as np

VOCAB = 1000000
EMB_DIM = 64
B = 16384
C = 20
K = 20

def setup_inputs(seed: int = 0) -> dict:
    key = jax.random.key(seed)
    k1, k2, k3, k4, k5 = jax.random.split(key, 5)
    target_ids = jax.random.randint(k1, (B,), 0, VOCAB, dtype=jnp.int64 if jax.config.jax_enable_x64 else jnp.int32)
    context_ids = jax.random.randint(k2, (B, C), 0, VOCAB, dtype=jnp.int64 if jax.config.jax_enable_x64 else jnp.int32)
    negative_ids = jax.random.randint(k3, (B, K), 0, VOCAB, dtype=jnp.int64 if jax.config.jax_enable_x64 else jnp.int32)
    input_emb = jax.random.normal(k4, (VOCAB, EMB_DIM), dtype=jnp.float32) * 0.02
    output_emb = jax.random.normal(k5, (VOCAB, EMB_DIM), dtype=jnp.float32) * 0.02
    return {
        "target_ids": target_ids,
        "context_ids": context_ids,
        "negative_ids": negative_ids,
        "input_emb": input_emb,
        "output_emb": output_emb,
    }

def reference(target_ids, context_ids, negative_ids, input_emb, output_emb):
    # context embedding lookup + mean pool over context window
    context_embs = jnp.take(input_emb, context_ids, axis=0)      # (B, C, D)
    context_vec = context_embs.mean(axis=1)                      # (B, D)
    # target lookup from output embedding table
    target_embs = jnp.take(output_emb, target_ids, axis=0)       # (B, D)
    pos_logits = jnp.sum(context_vec * target_embs, axis=-1)     # (B,)
    # negative sample lookups
    neg_embs = jnp.take(output_emb, negative_ids, axis=0)        # (B, K, D)
    neg_logits = jnp.einsum('bd,bkd->bk', context_vec, neg_embs)  # (B, K)
    return (pos_logits, neg_logits)

if __name__ == "__main__":
    import jax
    _d = setup_inputs()
    print(jax.jit(kernel)(*tuple(_d.values())))

</pallas_src>

<mosaic_0001>
#map = affine_map<(d0, d1) -> (0)>
#map1 = affine_map<(d0, d1) -> (0, 0)>
module attributes {stable_mosaic.version = 14 : i64} {
  func.func @_cbow_body(%arg0: i32, %arg1: i32, %arg2: memref<16384xi32, #tpu.memory_space<hbm>>, %arg3: memref<327680xi32, #tpu.memory_space<hbm>>, %arg4: memref<327680xi32, #tpu.memory_space<hbm>>, %arg5: memref<1000000x64xf32, #tpu.memory_space<hbm>>, %arg6: memref<1000000x64xf32, #tpu.memory_space<hbm>>, %arg7: memref<16384x32xf32, #tpu.memory_space<hbm>>, %arg8: memref<640xi32, #tpu.memory_space<vmem>>, %arg9: memref<640xi32, #tpu.memory_space<vmem>>, %arg10: memref<32xi32, #tpu.memory_space<vmem>>, %arg11: memref<640x64xf32, #tpu.memory_space<vmem>>, %arg12: memref<672x64xf32, #tpu.memory_space<vmem>>, %arg13: memref<32x32xf32, #tpu.memory_space<vmem>>, %arg14: memref<!tpu.dma_semaphore, #tpu.memory_space<semaphore_mem>>) attributes {dimension_semantics = [#tpu.dimension_semantics<core_parallel>, #tpu.dimension_semantics<subcore_parallel>], iteration_bounds = array<i64: 2, 16>, scalar_prefetch = 0 : i64, scratch_operands = 7 : i64, tpu.core_type = #tpu.core_type<sc_vector_subcore>, window_params = [{transform_indices = #map}, {transform_indices = #map}, {transform_indices = #map}, {transform_indices = #map1}, {transform_indices = #map1}, {transform_indices = #map1}]} {
    %mul3A = arith.constant 2 : i32
    %mul3A_0 = arith.muli %arg1, %mul3A : i32
    %add3A = arith.addi %mul3A_0, %arg0 : i32
    %iota3A = tpu.iota {dimensions = array<i32: 0>} : vector<16xi32>
    %scan3A = arith.constant 0 : i32
    %scan3A_1 = arith.constant 0 : i32
    %scan3A_2 = arith.constant 16 : i32
    %scan3A_3 = arith.addi %scan3A_1, %scan3A_2 : i32
    %scan3A_4 = arith.constant 1 : i32
    scf.for %scan3A_6 = %scan3A_1 to %scan3A_3 step %scan3A_4  : i32 {
      %mul3A_7 = arith.constant 512 : i32
      %mul3A_8 = arith.muli %add3A, %mul3A_7 : i32
      %mul3A_9 = arith.constant 32 : i32
      %mul3A_10 = arith.muli %scan3A_6, %mul3A_9 : i32
      %add3A_11 = arith.addi %mul3A_8, %mul3A_10 : i32
      %mul3A_12 = arith.constant 20 : i32
      %mul3A_13 = arith.muli %add3A_11, %mul3A_12 : i32
      "tpu.region"() ({
        %run_scoped3A = tpu.sem_alloc : memref<!tpu.dma_semaphore, #tpu.memory_space<semaphore_mem>>
        %dma_start3A_190 = tpu.memref_slice %arg3[%mul3A_13] : memref<327680xi32, #tpu.memory_space<hbm>> -> memref<640xi32, #tpu.memory_space<hbm>>
        %dma_start3A_191 = tpu.memref_slice %arg3[%mul3A_13] : memref<327680xi32, #tpu.memory_space<hbm>> -> memref<640xi32, #tpu.memory_space<hbm>>
        tpu.enqueue_dma source(%dma_start3A_191 : memref<640xi32, #tpu.memory_space<hbm>>) target(%arg8 : memref<640xi32, #tpu.memory_space<vmem>>) target_semaphore(%run_scoped3A : memref<!tpu.dma_semaphore, #tpu.memory_space<semaphore_mem>>)
        %dma_wait3A_192 = tpu.memref_slice %arg3[%mul3A_13] : memref<327680xi32, #tpu.memory_space<hbm>> -> memref<640xi32, #tpu.memory_space<hbm>>
        %dma_wait3A_193 = tpu.memref_slice %arg3[%mul3A_13] : memref<327680xi32, #tpu.memory_space<hbm>> -> memref<640xi32, #tpu.memory_space<hbm>>
        tpu.wait_dma2 semaphore(%run_scoped3A : memref<!tpu.dma_semaphore, #tpu.memory_space<semaphore_mem>>) src(%dma_wait3A_193 : memref<640xi32, #tpu.memory_space<hbm>>) dst(%arg8 : memref<640xi32, #tpu.memory_space<vmem>>)
        tpu.yield
      }) : () -> ()
      "tpu.region"() ({
        %run_scoped3A = tpu.sem_alloc : memref<!tpu.dma_semaphore, #tpu.memory_space<semaphore_mem>>
        %dma_start3A_190 = tpu.memref_slice %arg4[%mul3A_13] : memref<327680xi32, #tpu.memory_space<hbm>> -> memref<640xi32, #tpu.memory_space<hbm>>
        %dma_start3A_191 = tpu.memref_slice %arg4[%mul3A_13] : memref<327680xi32, #tpu.memory_space<hbm>> -> memref<640xi32, #tpu.memory_space<hbm>>
        tpu.enqueue_dma source(%dma_start3A_191 : memref<640xi32, #tpu.memory_space<hbm>>) target(%arg9 : memref<640xi32, #tpu.memory_space<vmem>>) target_semaphore(%run_scoped3A : memref<!tpu.dma_semaphore, #tpu.memory_space<semaphore_mem>>)
        %dma_wait3A_192 = tpu.memref_slice %arg4[%mul3A_13] : memref<327680xi32, #tpu.memory_space<hbm>> -> memref<640xi32, #tpu.memory_space<hbm>>
        %dma_wait3A_193 = tpu.memref_slice %arg4[%mul3A_13] : memref<327680xi32, #tpu.memory_space<hbm>> -> memref<640xi32, #tpu.memory_space<hbm>>
        tpu.wait_dma2 semaphore(%run_scoped3A : memref<!tpu.dma_semaphore, #tpu.memory_space<semaphore_mem>>) src(%dma_wait3A_193 : memref<640xi32, #tpu.memory_space<hbm>>) dst(%arg9 : memref<640xi32, #tpu.memory_space<vmem>>)
        tpu.yield
      }) : () -> ()
      "tpu.region"() ({
        %run_scoped3A = tpu.sem_alloc : memref<!tpu.dma_semaphore, #tpu.memory_space<semaphore_mem>>
        %dma_start3A_190 = tpu.memref_slice %arg2[%add3A_11] : memref<16384xi32, #tpu.memory_space<hbm>> -> memref<32xi32, #tpu.memory_space<hbm>>
        %dma_start3A_191 = tpu.memref_slice %arg2[%add3A_11] : memref<16384xi32, #tpu.memory_space<hbm>> -> memref<32xi32, #tpu.memory_space<hbm>>
        tpu.enqueue_dma source(%dma_start3A_191 : memref<32xi32, #tpu.memory_space<hbm>>) target(%arg10 : memref<32xi32, #tpu.memory_space<vmem>>) target_semaphore(%run_scoped3A : memref<!tpu.dma_semaphore, #tpu.memory_space<semaphore_mem>>)
        %dma_wait3A_192 = tpu.memref_slice %arg2[%add3A_11] : memref<16384xi32, #tpu.memory_space<hbm>> -> memref<32xi32, #tpu.memory_space<hbm>>
        %dma_wait3A_193 = tpu.memref_slice %arg2[%add3A_11] : memref<16384xi32, #tpu.memory_space<hbm>> -> memref<32xi32, #tpu.memory_space<hbm>>
        tpu.wait_dma2 semaphore(%run_scoped3A : memref<!tpu.dma_semaphore, #tpu.memory_space<semaphore_mem>>) src(%dma_wait3A_193 : memref<32xi32, #tpu.memory_space<hbm>>) dst(%arg10 : memref<32xi32, #tpu.memory_space<vmem>>)
        tpu.yield
      }) : () -> ()
      %dma_start3A = arith.constant 0 : i32
      %dma_start3A_14 = arith.constant 0 : i32
      %dma_start3A_15 = tpu.memref_slice %arg11[%dma_start3A, %dma_start3A_14] : memref<640x64xf32, #tpu.memory_space<vmem>> -> memref<128x64xf32, #tpu.memory_space<vmem>>
      %dma_start3A_16 = arith.constant 0 : i32
      %dma_start3A_17 = tpu.memref_slice %arg8[%dma_start3A_16] : memref<640xi32, #tpu.memory_space<vmem>> -> memref<128xi32, #tpu.memory_space<vmem>>
      %dma_start3A_18 = arith.constant 0 : i32
      %dma_start3A_19 = arith.constant 0 : i32
      %dma_start3A_20 = tpu.memref_slice %arg5[%dma_start3A_18, %dma_start3A_19] : memref<1000000x64xf32, #tpu.memory_space<hbm>> -> memref<1000000x64xf32, #tpu.memory_space<hbm>>
      tpu.enqueue_indirect_dma source(%dma_start3A_20 : memref<1000000x64xf32, #tpu.memory_space<hbm>>) target(%dma_start3A_15 : memref<128x64xf32, #tpu.memory_space<vmem>>) offsets(%dma_start3A_17 : memref<128xi32, #tpu.memory_space<vmem>>) semaphore(%arg14 : memref<!tpu.dma_semaphore, #tpu.memory_space<semaphore_mem>>)
      %dma_start3A_21 = arith.constant 0 : i32
      %dma_start3A_22 = arith.constant 0 : i32
      %dma_start3A_23 = tpu.memref_slice %arg12[%dma_start3A_21, %dma_start3A_22] : memref<672x64xf32, #tpu.memory_space<vmem>> -> memref<128x64xf32, #tpu.memory_space<vmem>>
      %dma_start3A_24 = arith.constant 0 : i32
      %dma_start3A_25 = tpu.memref_slice %arg9[%dma_start3A_24] : memref<640xi32, #tpu.memory_space<vmem>> -> memref<128xi32, #tpu.memory_space<vmem>>
      %dma_start3A_26 = arith.constant 0 : i32
      %dma_start3A_27 = arith.constant 0 : i32
      %dma_start3A_28 = tpu.memref_slice %arg6[%dma_start3A_26, %dma_start3A_27] : memref<1000000x64xf32, #tpu.memory_space<hbm>> -> memref<1000000x64xf32, #tpu.memory_space<hbm>>
      tpu.enqueue_indirect_dma source(%dma_start3A_28 : memref<1000000x64xf32, #tpu.memory_space<hbm>>) target(%dma_start3A_23 : memref<128x64xf32, #tpu.memory_space<vmem>>) offsets(%dma_start3A_25 : memref<128xi32, #tpu.memory_space<vmem>>) semaphore(%arg14 : memref<!tpu.dma_semaphore, #tpu.memory_space<semaphore_mem>>)
      %dma_start3A_29 = arith.constant 128 : i32
      %dma_start3A_30 = arith.constant 0 : i32
      %dma_start3A_31 = tpu.memref_slice %arg11[%dma_start3A_29, %dma_start3A_30] : memref<640x64xf32, #tpu.memory_space<vmem>> -> memref<128x64xf32, #tpu.memory_space<vmem>>
      %dma_start3A_32 = arith.constant 128 : i32
      %dma_start3A_33 = tpu.memref_slice %arg8[%dma_start3A_32] : memref<640xi32, #tpu.memory_space<vmem>> -> memref<128xi32, #tpu.memory_space<vmem>>
      %dma_start3A_34 = arith.constant 0 : i32
      %dma_start3A_35 = arith.constant 0 : i32
      %dma_start3A_36 = tpu.memref_slice %arg5[%dma_start3A_34, %dma_start3A_35] : memref<1000000x64xf32, #tpu.memory_space<hbm>> -> memref<1000000x64xf32, #tpu.memory_space<hbm>>
      tpu.enqueue_indirect_dma source(%dma_start3A_36 : memref<1000000x64xf32, #tpu.memory_space<hbm>>) target(%dma_start3A_31 : memref<128x64xf32, #tpu.memory_space<vmem>>) offsets(%dma_start3A_33 : memref<128xi32, #tpu.memory_space<vmem>>) semaphore(%arg14 : memref<!tpu.dma_semaphore, #tpu.memory_space<semaphore_mem>>)
      %dma_start3A_37 = arith.constant 128 : i32
      %dma_start3A_38 = arith.constant 0 : i32
      %dma_start3A_39 = tpu.memref_slice %arg12[%dma_start3A_37, %dma_start3A_38] : memref<672x64xf32, #tpu.memory_space<vmem>> -> memref<128x64xf32, #tpu.memory_space<vmem>>
      %dma_start3A_40 = arith.constant 128 : i32
      %dma_start3A_41 = tpu.memref_slice %arg9[%dma_start3A_40] : memref<640xi32, #tpu.memory_space<vmem>> -> memref<128xi32, #tpu.memory_space<vmem>>
      %dma_start3A_42 = arith.constant 0 : i32
      %dma_start3A_43 = arith.constant 0 : i32
      %dma_start3A_44 = tpu.memref_slice %arg6[%dma_start3A_42, %dma_start3A_43] : memref<1000000x64xf32, #tpu.memory_space<hbm>> -> memref<1000000x64xf32, #tpu.memory_space<hbm>>
      tpu.enqueue_indirect_dma source(%dma_start3A_44 : memref<1000000x64xf32, #tpu.memory_space<hbm>>) target(%dma_start3A_39 : memref<128x64xf32, #tpu.memory_space<vmem>>) offsets(%dma_start3A_41 : memref<128xi32, #tpu.memory_space<vmem>>) semaphore(%arg14 : memref<!tpu.dma_semaphore, #tpu.memory_space<semaphore_mem>>)
      %dma_start3A_45 = arith.constant 256 : i32
      %dma_start3A_46 = arith.constant 0 : i32
      %dma_start3A_47 = tpu.memref_slice %arg11[%dma_start3A_45, %dma_start3A_46] : memref<640x64xf32, #tpu.memory_space<vmem>> -> memref<128x64xf32, #tpu.memory_space<vmem>>
      %dma_start3A_48 = arith.constant 256 : i32
      %dma_start3A_49 = tpu.memref_slice %arg8[%dma_start3A_48] : memref<640xi32, #tpu.memory_space<vmem>> -> memref<128xi32, #tpu.memory_space<vmem>>
      %dma_start3A_50 = arith.constant 0 : i32
      %dma_start3A_51 = arith.constant 0 : i32
      %dma_start3A_52 = tpu.memref_slice %arg5[%dma_start3A_50, %dma_start3A_51] : memref<1000000x64xf32, #tpu.memory_space<hbm>> -> memref<1000000x64xf32, #tpu.memory_space<hbm>>
      tpu.enqueue_indirect_dma source(%dma_start3A_52 : memref<1000000x64xf32, #tpu.memory_space<hbm>>) target(%dma_start3A_47 : memref<128x64xf32, #tpu.memory_space<vmem>>) offsets(%dma_start3A_49 : memref<128xi32, #tpu.memory_space<vmem>>) semaphore(%arg14 : memref<!tpu.dma_semaphore, #tpu.memory_space<semaphore_mem>>)
      %dma_start3A_53 = arith.constant 256 : i32
      %dma_start3A_54 = arith.constant 0 : i32
      %dma_start3A_55 = tpu.memref_slice %arg12[%dma_start3A_53, %dma_start3A_54] : memref<672x64xf32, #tpu.memory_space<vmem>> -> memref<128x64xf32, #tpu.memory_space<vmem>>
      %dma_start3A_56 = arith.constant 256 : i32
      %dma_start3A_57 = tpu.memref_slice %arg9[%dma_start3A_56] : memref<640xi32, #tpu.memory_space<vmem>> -> memref<128xi32, #tpu.memory_space<vmem>>
      %dma_start3A_58 = arith.constant 0 : i32
      %dma_start3A_59 = arith.constant 0 : i32
      %dma_start3A_60 = tpu.memref_slice %arg6[%dma_start3A_58, %dma_start3A_59] : memref<1000000x64xf32, #tpu.memory_space<hbm>> -> memref<1000000x64xf32, #tpu.memory_space<hbm>>
      tpu.enqueue_indirect_dma source(%dma_start3A_60 : memref<1000000x64xf32, #tpu.memory_space<hbm>>) target(%dma_start3A_55 : memref<128x64xf32, #tpu.memory_space<vmem>>) offsets(%dma_start3A_57 : memref<128xi32, #tpu.memory_space<vmem>>) semaphore(%arg14 : memref<!tpu.dma_semaphore, #tpu.memory_space<semaphore_mem>>)
      %dma_start3A_61 = arith.constant 384 : i32
      %dma_start3A_62 = arith.constant 0 : i32
      %dma_start3A_63 = tpu.memref_slice %arg11[%dma_start3A_61, %dma_start3A_62] : memref<640x64xf32, #tpu.memory_space<vmem>> -> memref<128x64xf32, #tpu.memory_space<vmem>>
      %dma_start3A_64 = arith.constant 384 : i32
      %dma_start3A_65 = tpu.memref_slice %arg8[%dma_start3A_64] : memref<640xi32, #tpu.memory_space<vmem>> -> memref<128xi32, #tpu.memory_space<vmem>>
      %dma_start3A_66 = arith.constant 0 : i32
      %dma_start3A_67 = arith.constant 0 : i32
      %dma_start3A_68 = tpu.memref_slice %arg5[%dma_start3A_66, %dma_start3A_67] : memref<1000000x64xf32, #tpu.memory_space<hbm>> -> memref<1000000x64xf32, #tpu.memory_space<hbm>>
      tpu.enqueue_indirect_dma source(%dma_start3A_68 : memref<1000000x64xf32, #tpu.memory_space<hbm>>) target(%dma_start3A_63 : memref<128x64xf32, #tpu.memory_space<vmem>>) offsets(%dma_start3A_65 : memref<128xi32, #tpu.memory_space<vmem>>) semaphore(%arg14 : memref<!tpu.dma_semaphore, #tpu.memory_space<semaphore_mem>>)
      %dma_start3A_69 = arith.constant 384 : i32
      %dma_start3A_70 = arith.constant 0 : i32
      %dma_start3A_71 = tpu.memref_slice %arg12[%dma_start3A_69, %dma_start3A_70] : memref<672x64xf32, #tpu.memory_space<vmem>> -> memref<128x64xf32, #tpu.memory_space<vmem>>
      %dma_start3A_72 = arith.constant 384 : i32
      %dma_start3A_73 = tpu.memref_slice %arg9[%dma_start3A_72] : memref<640xi32, #tpu.memory_space<vmem>> -> memref<128xi32, #tpu.memory_space<vmem>>
      %dma_start3A_74 = arith.constant 0 : i32
      %dma_start3A_75 = arith.constant 0 : i32
      %dma_start3A_76 = tpu.memref_slice %arg6[%dma_start3A_74, %dma_start3A_75] : memref<1000000x64xf32, #tpu.memory_space<hbm>> -> memref<1000000x64xf32, #tpu.memory_space<hbm>>
      tpu.enqueue_indirect_dma source(%dma_start3A_76 : memref<1000000x64xf32, #tpu.memory_space<hbm>>) target(%dma_start3A_71 : memref<128x64xf32, #tpu.memory_space<vmem>>) offsets(%dma_start3A_73 : memref<128xi32, #tpu.memory_space<vmem>>) semaphore(%arg14 : memref<!tpu.dma_semaphore, #tpu.memory_space<semaphore_mem>>)
      %dma_start3A_77 = arith.constant 512 : i32
      %dma_start3A_78 = arith.constant 0 : i32
      %dma_start3A_79 = tpu.memref_slice %arg11[%dma_start3A_77, %dma_start3A_78] : memref<640x64xf32, #tpu.memory_space<vmem>> -> memref<128x64xf32, #tpu.memory_space<vmem>>
      %dma_start3A_80 = arith.constant 512 : i32
      %dma_start3A_81 = tpu.memref_slice %arg8[%dma_start3A_80] : memref<640xi32, #tpu.memory_space<vmem>> -> memref<128xi32, #tpu.memory_space<vmem>>
      %dma_start3A_82 = arith.constant 0 : i32
      %dma_start3A_83 = arith.constant 0 : i32
      %dma_start3A_84 = tpu.memref_slice %arg5[%dma_start3A_82, %dma_start3A_83] : memref<1000000x64xf32, #tpu.memory_space<hbm>> -> memref<1000000x64xf32, #tpu.memory_space<hbm>>
      tpu.enqueue_indirect_dma source(%dma_start3A_84 : memref<1000000x64xf32, #tpu.memory_space<hbm>>) target(%dma_start3A_79 : memref<128x64xf32, #tpu.memory_space<vmem>>) offsets(%dma_start3A_81 : memref<128xi32, #tpu.memory_space<vmem>>) semaphore(%arg14 : memref<!tpu.dma_semaphore, #tpu.memory_space<semaphore_mem>>)
      %dma_start3A_85 = arith.constant 512 : i32
      %dma_start3A_86 = arith.constant 0 : i32
      %dma_start3A_87 = tpu.memref_slice %arg12[%dma_start3A_85, %dma_start3A_86] : memref<672x64xf32, #tpu.memory_space<vmem>> -> memref<128x64xf32, #tpu.memory_space<vmem>>
      %dma_start3A_88 = arith.constant 512 : i32
      %dma_start3A_89 = tpu.memref_slice %arg9[%dma_start3A_88] : memref<640xi32, #tpu.memory_space<vmem>> -> memref<128xi32, #tpu.memory_space<vmem>>
      %dma_start3A_90 = arith.constant 0 : i32
      %dma_start3A_91 = arith.constant 0 : i32
      %dma_start3A_92 = tpu.memref_slice %arg6[%dma_start3A_90, %dma_start3A_91] : memref<1000000x64xf32, #tpu.memory_space<hbm>> -> memref<1000000x64xf32, #tpu.memory_space<hbm>>
      tpu.enqueue_indirect_dma source(%dma_start3A_92 : memref<1000000x64xf32, #tpu.memory_space<hbm>>) target(%dma_start3A_87 : memref<128x64xf32, #tpu.memory_space<vmem>>) offsets(%dma_start3A_89 : memref<128xi32, #tpu.memory_space<vmem>>) semaphore(%arg14 : memref<!tpu.dma_semaphore, #tpu.memory_space<semaphore_mem>>)
      %dma_start3A_93 = arith.constant 640 : i32
      %dma_start3A_94 = arith.constant 0 : i32
      %dma_start3A_95 = tpu.memref_slice %arg12[%dma_start3A_93, %dma_start3A_94] : memref<672x64xf32, #tpu.memory_space<vmem>> -> memref<32x64xf32, #tpu.memory_space<vmem>>
      %dma_start3A_96 = arith.constant 0 : i32
      %dma_start3A_97 = arith.constant 0 : i32
      %dma_start3A_98 = tpu.memref_slice %arg6[%dma_start3A_96, %dma_start3A_97] : memref<1000000x64xf32, #tpu.memory_space<hbm>> -> memref<1000000x64xf32, #tpu.memory_space<hbm>>
      tpu.enqueue_indirect_dma source(%dma_start3A_98 : memref<1000000x64xf32, #tpu.memory_space<hbm>>) target(%dma_start3A_95 : memref<32x64xf32, #tpu.memory_space<vmem>>) offsets(%arg10 : memref<32xi32, #tpu.memory_space<vmem>>) semaphore(%arg14 : memref<!tpu.dma_semaphore, #tpu.memory_space<semaphore_mem>>)
      %dma_wait3A = arith.constant 0 : i32
      %dma_wait3A_99 = arith.constant 0 : i32
      %dma_wait3A_100 = tpu.memref_slice %arg11[%dma_wait3A, %dma_wait3A_99] : memref<640x64xf32, #tpu.memory_space<vmem>> -> memref<128x64xf32, #tpu.memory_space<vmem>>
      %dma_wait3A_101 = arith.constant 0 : i32
      %dma_wait3A_102 = tpu.memref_slice %arg8[%dma_wait3A_101] : memref<640xi32, #tpu.memory_space<vmem>> -> memref<128xi32, #tpu.memory_space<vmem>>
      %dma_wait3A_103 = arith.constant 0 : i32
      %dma_wait3A_104 = arith.constant 0 : i32
      %dma_wait3A_105 = tpu.memref_slice %arg5[%dma_wait3A_103, %dma_wait3A_104] : memref<1000000x64xf32, #tpu.memory_space<hbm>> -> memref<1000000x64xf32, #tpu.memory_space<hbm>>
      tpu.wait_indirect_dma semaphore(%arg14 : memref<!tpu.dma_semaphore, #tpu.memory_space<semaphore_mem>>) src(%dma_wait3A_105 : memref<1000000x64xf32, #tpu.memory_space<hbm>>) dst(%dma_wait3A_100 : memref<128x64xf32, #tpu.memory_space<vmem>>)
      %dma_wait3A_106 = arith.constant 0 : i32
      %dma_wait3A_107 = arith.constant 0 : i32
      %dma_wait3A_108 = tpu.memref_slice %arg12[%dma_wait3A_106, %dma_wait3A_107] : memref<672x64xf32, #tpu.memory_space<vmem>> -> memref<128x64xf32, #tpu.memory_space<vmem>>
      %dma_wait3A_109 = arith.constant 0 : i32
      %dma_wait3A_110 = tpu.memref_slice %arg9[%dma_wait3A_109] : memref<640xi32, #tpu.memory_space<vmem>> -> memref<128xi32, #tpu.memory_space<vmem>>
      %dma_wait3A_111 = arith.constant 0 : i32
      %dma_wait3A_112 = arith.constant 0 : i32
      %dma_wait3A_113 = tpu.memref_slice %arg6[%dma_wait3A_111, %dma_wait3A_112] : memref<1000000x64xf32, #tpu.memory_space<hbm>> -> memref<1000000x64xf32, #tpu.memory_space<hbm>>
      tpu.wait_indirect_dma semaphore(%arg14 : memref<!tpu.dma_semaphore, #tpu.memory_space<semaphore_mem>>) src(%dma_wait3A_113 : memref<1000000x64xf32, #tpu.memory_space<hbm>>) dst(%dma_wait3A_108 : memref<128x64xf32, #tpu.memory_space<vmem>>)
      %dma_wait3A_114 = arith.constant 128 : i32
      %dma_wait3A_115 = arith.constant 0 : i32
      %dma_wait3A_116 = tpu.memref_slice %arg11[%dma_wait3A_114, %dma_wait3A_115] : memref<640x64xf32, #tpu.memory_space<vmem>> -> memref<128x64xf32, #tpu.memory_space<vmem>>
      %dma_wait3A_117 = arith.constant 128 : i32
      %dma_wait3A_118 = tpu.memref_slice %arg8[%dma_wait3A_117] : memref<640xi32, #tpu.memory_space<vmem>> -> memref<128xi32, #tpu.memory_space<vmem>>
      %dma_wait3A_119 = arith.constant 0 : i32
      %dma_wait3A_120 = arith.constant 0 : i32
      %dma_wait3A_121 = tpu.memref_slice %arg5[%dma_wait3A_119, %dma_wait3A_120] : memref<1000000x64xf32, #tpu.memory_space<hbm>> -> memref<1000000x64xf32, #tpu.memory_space<hbm>>
      tpu.wait_indirect_dma semaphore(%arg14 : memref<!tpu.dma_semaphore, #tpu.memory_space<semaphore_mem>>) src(%dma_wait3A_121 : memref<1000000x64xf32, #tpu.memory_space<hbm>>) dst(%dma_wait3A_116 : memref<128x64xf32, #tpu.memory_space<vmem>>)
      %dma_wait3A_122 = arith.constant 128 : i32
      %dma_wait3A_123 = arith.constant 0 : i32
      %dma_wait3A_124 = tpu.memref_slice %arg12[%dma_wait3A_122, %dma_wait3A_123] : memref<672x64xf32, #tpu.memory_space<vmem>> -> memref<128x64xf32, #tpu.memory_space<vmem>>
      %dma_wait3A_125 = arith.constant 128 : i32
      %dma_wait3A_126 = tpu.memref_slice %arg9[%dma_wait3A_125] : memref<640xi32, #tpu.memory_space<vmem>> -> memref<128xi32, #tpu.memory_space<vmem>>
      %dma_wait3A_127 = arith.constant 0 : i32
      %dma_wait3A_128 = arith.constant 0 : i32
      %dma_wait3A_129 = tpu.memref_slice %arg6[%dma_wait3A_127, %dma_wait3A_128] : memref<1000000x64xf32, #tpu.memory_space<hbm>> -> memref<1000000x64xf32, #tpu.memory_space<hbm>>
      tpu.wait_indirect_dma semaphore(%arg14 : memref<!tpu.dma_semaphore, #tpu.memory_space<semaphore_mem>>) src(%dma_wait3A_129 : memref<1000000x64xf32, #tpu.memory_space<hbm>>) dst(%dma_wait3A_124 : memref<128x64xf32, #tpu.memory_space<vmem>>)
      %dma_wait3A_130 = arith.constant 256 : i32
      %dma_wait3A_131 = arith.constant 0 : i32
      %dma_wait3A_132 = tpu.memref_slice %arg11[%dma_wait3A_130, %dma_wait3A_131] : memref<640x64xf32, #tpu.memory_space<vmem>> -> memref<128x64xf32, #tpu.memory_space<vmem>>
      %dma_wait3A_133 = arith.constant 256 : i32
      %dma_wait3A_134 = tpu.memref_slice %arg8[%dma_wait3A_133] : memref<640xi32, #tpu.memory_space<vmem>> -> memref<128xi32, #tpu.memory_space<vmem>>
      %dma_wait3A_135 = arith.constant 0 : i32
      %dma_wait3A_136 = arith.constant 0 : i32
      %dma_wait3A_137 = tpu.memref_slice %arg5[%dma_wait3A_135, %dma_wait3A_136] : memref<1000000x64xf32, #tpu.memory_space<hbm>> -> memref<1000000x64xf32, #tpu.memory_space<hbm>>
      tpu.wait_indirect_dma semaphore(%arg14 : memref<!tpu.dma_semaphore, #tpu.memory_space<semaphore_mem>>) src(%dma_wait3A_137 : memref<1000000x64xf32, #tpu.memory_space<hbm>>) dst(%dma_wait3A_132 : memref<128x64xf32, #tpu.memory_space<vmem>>)
      %dma_wait3A_138 = arith.constant 256 : i32
      %dma_wait3A_139 = arith.constant 0 : i32
      %dma_wait3A_140 = tpu.memref_slice %arg12[%dma_wait3A_138, %dma_wait3A_139] : memref<672x64xf32, #tpu.memory_space<vmem>> -> memref<128x64xf32, #tpu.memory_space<vmem>>
      %dma_wait3A_141 = arith.constant 256 : i32
      %dma_wait3A_142 = tpu.memref_slice %arg9[%dma_wait3A_141] : memref<640xi32, #tpu.memory_space<vmem>> -> memref<128xi32, #tpu.memory_space<vmem>>
      %dma_wait3A_143 = arith.constant 0 : i32
      %dma_wait3A_144 = arith.constant 0 : i32
      %dma_wait3A_145 = tpu.memref_slice %arg6[%dma_wait3A_143, %dma_wait3A_144] : memref<1000000x64xf32, #tpu.memory_space<hbm>> -> memref<1000000x64xf32, #tpu.memory_space<hbm>>
      tpu.wait_indirect_dma semaphore(%arg14 : memref<!tpu.dma_semaphore, #tpu.memory_space<semaphore_mem>>) src(%dma_wait3A_145 : memref<1000000x64xf32, #tpu.memory_space<hbm>>) dst(%dma_wait3A_140 : memref<128x64xf32, #tpu.memory_space<vmem>>)
      %dma_wait3A_146 = arith.constant 384 : i32
      %dma_wait3A_147 = arith.constant 0 : i32
      %dma_wait3A_148 = tpu.memref_slice %arg11[%dma_wait3A_146, %dma_wait3A_147] : memref<640x64xf32, #tpu.memory_space<vmem>> -> memref<128x64xf32, #tpu.memory_space<vmem>>
      %dma_wait3A_149 = arith.constant 384 : i32
      %dma_wait3A_150 = tpu.memref_slice %arg8[%dma_wait3A_149] : memref<640xi32, #tpu.memory_space<vmem>> -> memref<128xi32, #tpu.memory_space<vmem>>
      %dma_wait3A_151 = arith.constant 0 : i32
      %dma_wait3A_152 = arith.constant 0 : i32
      %dma_wait3A_153 = tpu.memref_slice %arg5[%dma_wait3A_151, %dma_wait3A_152] : memref<1000000x64xf32, #tpu.memory_space<hbm>> -> memref<1000000x64xf32, #tpu.memory_space<hbm>>
      tpu.wait_indirect_dma semaphore(%arg14 : memref<!tpu.dma_semaphore, #tpu.memory_space<semaphore_mem>>) src(%dma_wait3A_153 : memref<1000000x64xf32, #tpu.memory_space<hbm>>) dst(%dma_wait3A_148 : memref<128x64xf32, #tpu.memory_space<vmem>>)
      %dma_wait3A_154 = arith.constant 384 : i32
      %dma_wait3A_155 = arith.constant 0 : i32
      %dma_wait3A_156 = tpu.memref_slice %arg12[%dma_wait3A_154, %dma_wait3A_155] : memref<672x64xf32, #tpu.memory_space<vmem>> -> memref<128x64xf32, #tpu.memory_space<vmem>>
      %dma_wait3A_157 = arith.constant 384 : i32
      %dma_wait3A_158 = tpu.memref_slice %arg9[%dma_wait3A_157] : memref<640xi32, #tpu.memory_space<vmem>> -> memref<128xi32, #tpu.memory_space<vmem>>
      %dma_wait3A_159 = arith.constant 0 : i32
      %dma_wait3A_160 = arith.constant 0 : i32
      %dma_wait3A_161 = tpu.memref_slice %arg6[%dma_wait3A_159, %dma_wait3A_160] : memref<1000000x64xf32, #tpu.memory_space<hbm>> -> memref<1000000x64xf32, #tpu.memory_space<hbm>>
      tpu.wait_indirect_dma semaphore(%arg14 : memref<!tpu.dma_semaphore, #tpu.memory_space<semaphore_mem>>) src(%dma_wait3A_161 : memref<1000000x64xf32, #tpu.memory_space<hbm>>) dst(%dma_wait3A_156 : memref<128x64xf32, #tpu.memory_space<vmem>>)
      %dma_wait3A_162 = arith.constant 512 : i32
      %dma_wait3A_163 = arith.constant 0 : i32
      %dma_wait3A_164 = tpu.memref_slice %arg11[%dma_wait3A_162, %dma_wait3A_163] : memref<640x64xf32, #tpu.memory_space<vmem>> -> memref<128x64xf32, #tpu.memory_space<vmem>>
      %dma_wait3A_165 = arith.constant 512 : i32
      %dma_wait3A_166 = tpu.memref_slice %arg8[%dma_wait3A_165] : memref<640xi32, #tpu.memory_space<vmem>> -> memref<128xi32, #tpu.memory_space<vmem>>
      %dma_wait3A_167 = arith.constant 0 : i32
      %dma_wait3A_168 = arith.constant 0 : i32
      %dma_wait3A_169 = tpu.memref_slice %arg5[%dma_wait3A_167, %dma_wait3A_168] : memref<1000000x64xf32, #tpu.memory_space<hbm>> -> memref<1000000x64xf32, #tpu.memory_space<hbm>>
      tpu.wait_indirect_dma semaphore(%arg14 : memref<!tpu.dma_semaphore, #tpu.memory_space<semaphore_mem>>) src(%dma_wait3A_169 : memref<1000000x64xf32, #tpu.memory_space<hbm>>) dst(%dma_wait3A_164 : memref<128x64xf32, #tpu.memory_space<vmem>>)
      %dma_wait3A_170 = arith.constant 512 : i32
      %dma_wait3A_171 = arith.constant 0 : i32
      %dma_wait3A_172 = tpu.memref_slice %arg12[%dma_wait3A_170, %dma_wait3A_171] : memref<672x64xf32, #tpu.memory_space<vmem>> -> memref<128x64xf32, #tpu.memory_space<vmem>>
      %dma_wait3A_173 = arith.constant 512 : i32
      %dma_wait3A_174 = tpu.memref_slice %arg9[%dma_wait3A_173] : memref<640xi32, #tpu.memory_space<vmem>> -> memref<128xi32, #tpu.memory_space<vmem>>
      %dma_wait3A_175 = arith.constant 0 : i32
      %dma_wait3A_176 = arith.constant 0 : i32
      %dma_wait3A_177 = tpu.memref_slice %arg6[%dma_wait3A_175, %dma_wait3A_176] : memref<1000000x64xf32, #tpu.memory_space<hbm>> -> memref<1000000x64xf32, #tpu.memory_space<hbm>>
      tpu.wait_indirect_dma semaphore(%arg14 : memref<!tpu.dma_semaphore, #tpu.memory_space<semaphore_mem>>) src(%dma_wait3A_177 : memref<1000000x64xf32, #tpu.memory_space<hbm>>) dst(%dma_wait3A_172 : memref<128x64xf32, #tpu.memory_space<vmem>>)
      %dma_wait3A_178 = arith.constant 640 : i32
      %dma_wait3A_179 = arith.constant 0 : i32
      %dma_wait3A_180 = tpu.memref_slice %arg12[%dma_wait3A_178, %dma_wait3A_179] : memref<672x64xf32, #tpu.memory_space<vmem>> -> memref<32x64xf32, #tpu.memory_space<vmem>>
      %dma_wait3A_181 = arith.constant 0 : i32
      %dma_wait3A_182 = arith.constant 0 : i32
      %dma_wait3A_183 = tpu.memref_slice %arg6[%dma_wait3A_181, %dma_wait3A_182] : memref<1000000x64xf32, #tpu.memory_space<hbm>> -> memref<1000000x64xf32, #tpu.memory_space<hbm>>
      tpu.wait_indirect_dma semaphore(%arg14 : memref<!tpu.dma_semaphore, #tpu.memory_space<semaphore_mem>>) src(%dma_wait3A_183 : memref<1000000x64xf32, #tpu.memory_space<hbm>>) dst(%dma_wait3A_180 : memref<32x64xf32, #tpu.memory_space<vmem>>)
      %scan3A_184 = arith.constant 0 : i32
      %scan3A_185 = arith.constant 0 : i32
      %scan3A_186 = arith.constant 32 : i32
      %scan3A_187 = arith.addi %scan3A_185, %scan3A_186 : i32
      %scan3A_188 = arith.constant 1 : i32
      scf.for %scan3A_190 = %scan3A_185 to %scan3A_187 step %scan3A_188  : i32 {
        %mul3A_191 = arith.constant 20 : i32
        %mul3A_192 = arith.muli %scan3A_190, %mul3A_191 : i32
        %get3A = arith.index_cast %mul3A_192 : i32 to index
        %get3A_193 = arith.constant 0 : index
        %get3A_194 = tpu.vector_load %arg11[%get3A, %get3A_193] {strides = array<i32>} : memref<640x64xf32, #tpu.memory_space<vmem>>, vector<16xf32>,
        %get3A_195 = arith.index_cast %mul3A_192 : i32 to index
        %get3A_196 = arith.constant 16 : index
        %get3A_197 = tpu.vector_load %arg11[%get3A_195, %get3A_196] {strides = array<i32>} : memref<640x64xf32, #tpu.memory_space<vmem>>, vector<16xf32>,
        %get3A_198 = arith.index_cast %mul3A_192 : i32 to index
        %get3A_199 = arith.constant 32 : index
        %get3A_200 = tpu.vector_load %arg11[%get3A_198, %get3A_199] {strides = array<i32>} : memref<640x64xf32, #tpu.memory_space<vmem>>, vector<16xf32>,
        %get3A_201 = arith.index_cast %mul3A_192 : i32 to index
        %get3A_202 = arith.constant 48 : index
        %get3A_203 = tpu.vector_load %arg11[%get3A_201, %get3A_202] {strides = array<i32>} : memref<640x64xf32, #tpu.memory_space<vmem>>, vector<16xf32>,
        %add3A_204 = arith.constant 1 : i32
        %add3A_205 = arith.addi %mul3A_192, %add3A_204 : i32
        %get3A_206 = arith.index_cast %add3A_205 : i32 to index
        %get3A_207 = arith.constant 0 : index
        %get3A_208 = tpu.vector_load %arg11[%get3A_206, %get3A_207] {strides = array<i32>} : memref<640x64xf32, #tpu.memory_space<vmem>>, vector<16xf32>,
        %add3A_209 = arith.addf %get3A_194, %get3A_208 : vector<16xf32>
        %add3A_210 = arith.constant 1 : i32
        %add3A_211 = arith.addi %mul3A_192, %add3A_210 : i32
        %get3A_212 = arith.index_cast %add3A_211 : i32 to index
        %get3A_213 = arith.constant 16 : index
        %get3A_214 = tpu.vector_load %arg11[%get3A_212, %get3A_213] {strides = array<i32>} : memref<640x64xf32, #tpu.memory_space<vmem>>, vector<16xf32>,
        %add3A_215 = arith.addf %get3A_197, %get3A_214 : vector<16xf32>
        %add3A_216 = arith.constant 1 : i32
        %add3A_217 = arith.addi %mul3A_192, %add3A_216 : i32
        %get3A_218 = arith.index_cast %add3A_217 : i32 to index
        %get3A_219 = arith.constant 32 : index
        %get3A_220 = tpu.vector_load %arg11[%get3A_218, %get3A_219] {strides = array<i32>} : memref<640x64xf32, #tpu.memory_space<vmem>>, vector<16xf32>,
        %add3A_221 = arith.addf %get3A_200, %get3A_220 : vector<16xf32>
        %add3A_222 = arith.constant 1 : i32
        %add3A_223 = arith.addi %mul3A_192, %add3A_222 : i32
        %get3A_224 = arith.index_cast %add3A_223 : i32 to index
        %get3A_225 = arith.constant 48 : index
        %get3A_226 = tpu.vector_load %arg11[%get3A_224, %get3A_225] {strides = array<i32>} : memref<640x64xf32, #tpu.memory_space<vmem>>, vector<16xf32>,
        %add3A_227 = arith.addf %get3A_203, %get3A_226 : vector<16xf32>
        %add3A_228 = arith.constant 2 : i32
        %add3A_229 = arith.addi %mul3A_192, %add3A_228 : i32
        %get3A_230 = arith.index_cast %add3A_229 : i32 to index
        %get3A_231 = arith.constant 0 : index
        %get3A_232 = tpu.vector_load %arg11[%get3A_230, %get3A_231] {strides = array<i32>} : memref<640x64xf32, #tpu.memory_space<vmem>>, vector<16xf32>,
        %add3A_233 = arith.addf %add3A_209, %get3A_232 : vector<16xf32>
        %add3A_234 = arith.constant 2 : i32
        %add3A_235 = arith.addi %mul3A_192, %add3A_234 : i32
        %get3A_236 = arith.index_cast %add3A_235 : i32 to index
        %get3A_237 = arith.constant 16 : index
        %get3A_238 = tpu.vector_load %arg11[%get3A_236, %get3A_237] {strides = array<i32>} : memref<640x64xf32, #tpu.memory_space<vmem>>, vector<16xf32>,
        %add3A_239 = arith.addf %add3A_215, %get3A_238 : vector<16xf32>
        %add3A_240 = arith.constant 2 : i32
        %add3A_241 = arith.addi %mul3A_192, %add3A_240 : i32
        %get3A_242 = arith.index_cast %add3A_241 : i32 to index
        %get3A_243 = arith.constant 32 : index
        %get3A_244 = tpu.vector_load %arg11[%get3A_242, %get3A_243] {strides = array<i32>} : memref<640x64xf32, #tpu.memory_space<vmem>>, vector<16xf32>,
        %add3A_245 = arith.addf %add3A_221, %get3A_244 : vector<16xf32>
        %add3A_246 = arith.constant 2 : i32
        %add3A_247 = arith.addi %mul3A_192, %add3A_246 : i32
        %get3A_248 = arith.index_cast %add3A_247 : i32 to index
        %get3A_249 = arith.constant 48 : index
        %get3A_250 = tpu.vector_load %arg11[%get3A_248, %get3A_249] {strides = array<i32>} : memref<640x64xf32, #tpu.memory_space<vmem>>, vector<16xf32>,
        %add3A_251 = arith.addf %add3A_227, %get3A_250 : vector<16xf32>
        %add3A_252 = arith.constant 3 : i32
        %add3A_253 = arith.addi %mul3A_192, %add3A_252 : i32
        %get3A_254 = arith.index_cast %add3A_253 : i32 to index
        %get3A_255 = arith.constant 0 : index
        %get3A_256 = tpu.vector_load %arg11[%get3A_254, %get3A_255] {strides = array<i32>} : memref<640x64xf32, #tpu.memory_space<vmem>>, vector<16xf32>,
        %add3A_257 = arith.addf %add3A_233, %get3A_256 : vector<16xf32>
        %add3A_258 = arith.constant 3 : i32
        %add3A_259 = arith.addi %mul3A_192, %add3A_258 : i32
        %get3A_260 = arith.index_cast %add3A_259 : i32 to index
        %get3A_261 = arith.constant 16 : index
        %get3A_262 = tpu.vector_load %arg11[%get3A_260, %get3A_261] {strides = array<i32>} : memref<640x64xf32, #tpu.memory_space<vmem>>, vector<16xf32>,
        %add3A_263 = arith.addf %add3A_239, %get3A_262 : vector<16xf32>
        %add3A_264 = arith.constant 3 : i32
        %add3A_265 = arith.addi %mul3A_192, %add3A_264 : i32
        %get3A_266 = arith.index_cast %add3A_265 : i32 to index
        %get3A_267 = arith.constant 32 : index
        %get3A_268 = tpu.vector_load %arg11[%get3A_266, %get3A_267] {strides = array<i32>} : memref<640x64xf32, #tpu.memory_space<vmem>>, vector<16xf32>,
        %add3A_269 = arith.addf %add3A_245, %get3A_268 : vector<16xf32>
        %add3A_270 = arith.constant 3 : i32
        %add3A_271 = arith.addi %mul3A_192, %add3A_270 : i32
        %get3A_272 = arith.index_cast %add3A_271 : i32 to index
        %get3A_273 = arith.constant 48 : index
        %get3A_274 = tpu.vector_load %arg11[%get3A_272, %get3A_273] {strides = array<i32>} : memref<640x64xf32, #tpu.memory_space<vmem>>, vector<16xf32>,
        %add3A_275 = arith.addf %add3A_251, %get3A_274 : vector<16xf32>
        %add3A_276 = arith.constant 4 : i32
        %add3A_277 = arith.addi %mul3A_192, %add3A_276 : i32
        %get3A_278 = arith.index_cast %add3A_277 : i32 to index
        %get3A_279 = arith.constant 0 : index
        %get3A_280 = tpu.vector_load %arg11[%get3A_278, %get3A_279] {strides = array<i32>} : memref<640x64xf32, #tpu.memory_space<vmem>>, vector<16xf32>,
        %add3A_281 = arith.addf %add3A_257, %get3A_280 : vector<16xf32>
        %add3A_282 = arith.constant 4 : i32
        %add3A_283 = arith.addi %mul3A_192, %add3A_282 : i32
        %get3A_284 = arith.index_cast %add3A_283 : i32 to index
        %get3A_285 = arith.constant 16 : index
        %get3A_286 = tpu.vector_load %arg11[%get3A_284, %get3A_285] {strides = array<i32>} : memref<640x64xf32, #tpu.memory_space<vmem>>, vector<16xf32>,
        %add3A_287 = arith.addf %add3A_263, %get3A_286 : vector<16xf32>
        %add3A_288 = arith.constant 4 : i32
        %add3A_289 = arith.addi %mul3A_192, %add3A_288 : i32
        %get3A_290 = arith.index_cast %add3A_289 : i32 to index
        %get3A_291 = arith.constant 32 : index
        %get3A_292 = tpu.vector_load %arg11[%get3A_290, %get3A_291] {strides = array<i32>} : memref<640x64xf32, #tpu.memory_space<vmem>>, vector<16xf32>,
        %add3A_293 = arith.addf %add3A_269, %get3A_292 : vector<16xf32>
        %add3A_294 = arith.constant 4 : i32
        %add3A_295 = arith.addi %mul3A_192, %add3A_294 : i32
        %get3A_296 = arith.index_cast %add3A_295 : i32 to index
        %get3A_297 = arith.constant 48 : index
        %get3A_298 = tpu.vector_load %arg11[%get3A_296, %get3A_297] {strides = array<i32>} : memref<640x64xf32, #tpu.memory_space<vmem>>, vector<16xf32>,
        %add3A_299 = arith.addf %add3A_275, %get3A_298 : vector<16xf32>
        %add3A_300 = arith.constant 5 : i32
        %add3A_301 = arith.addi %mul3A_192, %add3A_300 : i32
        %get3A_302 = arith.index_cast %add3A_301 : i32 to index
        %get3A_303 = arith.constant 0 : index
        %get3A_304 = tpu.vector_load %arg11[%get3A_302, %get3A_303] {strides = array<i32>} : memref<640x64xf32, #tpu.memory_space<vmem>>, vector<16xf32>,
        %add3A_305 = arith.addf %add3A_281, %get3A_304 : vector<16xf32>
        %add3A_306 = arith.constant 5 : i32
        %add3A_307 = arith.addi %mul3A_192, %add3A_306 : i32
        %get3A_308 = arith.index_cast %add3A_307 : i32 to index
        %get3A_309 = arith.constant 16 : index
        %get3A_310 = tpu.vector_load %arg11[%get3A_308, %get3A_309] {strides = array<i32>} : memref<640x64xf32, #tpu.memory_space<vmem>>, vector<16xf32>,
        %add3A_311 = arith.addf %add3A_287, %get3A_310 : vector<16xf32>
        %add3A_312 = arith.constant 5 : i32
        %add3A_313 = arith.addi %mul3A_192, %add3A_312 : i32
        %get3A_314 = arith.index_cast %add3A_313 : i32 to index
        %get3A_315 = arith.constant 32 : index
        %get3A_316 = tpu.vector_load %arg11[%get3A_314, %get3A_315] {strides = array<i32>} : memref<640x64xf32, #tpu.memory_space<vmem>>, vector<16xf32>,
        %add3A_317 = arith.addf %add3A_293, %get3A_316 : vector<16xf32>
        %add3A_318 = arith.constant 5 : i32
        %add3A_319 = arith.addi %mul3A_192, %add3A_318 : i32
        %get3A_320 = arith.index_cast %add3A_319 : i32 to index
        %get3A_321 = arith.constant 48 : index
        %get3A_322 = tpu.vector_load %arg11[%get3A_320, %get3A_321] {strides = array<i32>} : memref<640x64xf32, #tpu.memory_space<vmem>>, vector<16xf32>,
        %add3A_323 = arith.addf %add3A_299, %get3A_322 : vector<16xf32>
        %add3A_324 = arith.constant 6 : i32
        %add3A_325 = arith.addi %mul3A_192, %add3A_324 : i32
        %get3A_326 = arith.index_cast %add3A_325 : i32 to index
        %get3A_327 = arith.constant 0 : index
        %get3A_328 = tpu.vector_load %arg11[%get3A_326, %get3A_327] {strides = array<i32>} : memref<640x64xf32, #tpu.memory_space<vmem>>, vector<16xf32>,
        %add3A_329 = arith.addf %add3A_305, %get3A_328 : vector<16xf32>
        %add3A_330 = arith.constant 6 : i32
        %add3A_331 = arith.addi %mul3A_192, %add3A_330 : i32
        %get3A_332 = arith.index_cast %add3A_331 : i32 to index
        %get3A_333 = arith.constant 16 : index
        %get3A_334 = tpu.vector_load %arg11[%get3A_332, %get3A_333] {strides = array<i32>} : memref<640x64xf32, #tpu.memory_space<vmem>>, vector<16xf32>,
        %add3A_335 = arith.addf %add3A_311, %get3A_334 : vector<16xf32>
        %add3A_336 = arith.constant 6 : i32
        %add3A_337 = arith.addi %mul3A_192, %add3A_336 : i32
        %get3A_338 = arith.index_cast %add3A_337 : i32 to index
        %get3A_339 = arith.constant 32 : index
        %get3A_340 = tpu.vector_load %arg11[%get3A_338, %get3A_339] {strides = array<i32>} : memref<640x64xf32, #tpu.memory_space<vmem>>, vector<16xf32>,
        %add3A_341 = arith.addf %add3A_317, %get3A_340 : vector<16xf32>
        %add3A_342 = arith.constant 6 : i32
        %add3A_343 = arith.addi %mul3A_192, %add3A_342 : i32
        %get3A_344 = arith.index_cast %add3A_343 : i32 to index
        %get3A_345 = arith.constant 48 : index
        %get3A_346 = tpu.vector_load %arg11[%get3A_344, %get3A_345] {strides = array<i32>} : memref<640x64xf32, #tpu.memory_space<vmem>>, vector<16xf32>,
        %add3A_347 = arith.addf %add3A_323, %get3A_346 : vector<16xf32>
        %add3A_348 = arith.constant 7 : i32
        %add3A_349 = arith.addi %mul3A_192, %add3A_348 : i32
        %get3A_350 = arith.index_cast %add3A_349 : i32 to index
        %get3A_351 = arith.constant 0 : index
        %get3A_352 = tpu.vector_load %arg11[%get3A_350, %get3A_351] {strides = array<i32>} : memref<640x64xf32, #tpu.memory_space<vmem>>, vector<16xf32>,
        %add3A_353 = arith.addf %add3A_329, %get3A_352 : vector<16xf32>
        %add3A_354 = arith.constant 7 : i32
        %add3A_355 = arith.addi %mul3A_192, %add3A_354 : i32
        %get3A_356 = arith.index_cast %add3A_355 : i32 to index
        %get3A_357 = arith.constant 16 : index
        %get3A_358 = tpu.vector_load %arg11[%get3A_356, %get3A_357] {strides = array<i32>} : memref<640x64xf32, #tpu.memory_space<vmem>>, vector<16xf32>,
        %add3A_359 = arith.addf %add3A_335, %get3A_358 : vector<16xf32>
        %add3A_360 = arith.constant 7 : i32
        %add3A_361 = arith.addi %mul3A_192, %add3A_360 : i32
        %get3A_362 = arith.index_cast %add3A_361 : i32 to index
        %get3A_363 = arith.constant 32 : index
        %get3A_364 = tpu.vector_load %arg11[%get3A_362, %get3A_363] {strides = array<i32>} : memref<640x64xf32, #tpu.memory_space<vmem>>, vector<16xf32>,
        %add3A_365 = arith.addf %add3A_341, %get3A_364 : vector<16xf32>
        %add3A_366 = arith.constant 7 : i32
        %add3A_367 = arith.addi %mul3A_192, %add3A_366 : i32
        %get3A_368 = arith.index_cast %add3A_367 : i32 to index
        %get3A_369 = arith.constant 48 : index
        %get3A_370 = tpu.vector_load %arg11[%get3A_368, %get3A_369] {strides = array<i32>} : memref<640x64xf32, #tpu.memory_space<vmem>>, vector<16xf32>,
        %add3A_371 = arith.addf %add3A_347, %get3A_370 : vector<16xf32>
        %add3A_372 = arith.constant 8 : i32
        %add3A_373 = arith.addi %mul3A_192, %add3A_372 : i32
        %get3A_374 = arith.index_cast %add3A_373 : i32 to index
        %get3A_375 = arith.constant 0 : index
        %get3A_376 = tpu.vector_load %arg11[%get3A_374, %get3A_375] {strides = array<i32>} : memref<640x64xf32, #tpu.memory_space<vmem>>, vector<16xf32>,
        %add3A_377 = arith.addf %add3A_353, %get3A_376 : vector<16xf32>
        %add3A_378 = arith.constant 8 : i32
        %add3A_379 = arith.addi %mul3A_192, %add3A_378 : i32
        %get3A_380 = arith.index_cast %add3A_379 : i32 to index
        %get3A_381 = arith.constant 16 : index
        %get3A_382 = tpu.vector_load %arg11[%get3A_380, %get3A_381] {strides = array<i32>} : memref<640x64xf32, #tpu.memory_space<vmem>>, vector<16xf32>,
        %add3A_383 = arith.addf %add3A_359, %get3A_382 : vector<16xf32>
        %add3A_384 = arith.constant 8 : i32
        %add3A_385 = arith.addi %mul3A_192, %add3A_384 : i32
        %get3A_386 = arith.index_cast %add3A_385 : i32 to index
        %get3A_387 = arith.constant 32 : index
        %get3A_388 = tpu.vector_load %arg11[%get3A_386, %get3A_387] {strides = array<i32>} : memref<640x64xf32, #tpu.memory_space<vmem>>, vector<16xf32>,
        %add3A_389 = arith.addf %add3A_365, %get3A_388 : vector<16xf32>
        %add3A_390 = arith.constant 8 : i32
        %add3A_391 = arith.addi %mul3A_192, %add3A_390 : i32
        %get3A_392 = arith.index_cast %add3A_391 : i32 to index
        %get3A_393 = arith.constant 48 : index
        %get3A_394 = tpu.vector_load %arg11[%get3A_392, %get3A_393] {strides = array<i32>} : memref<640x64xf32, #tpu.memory_space<vmem>>, vector<16xf32>,
        %add3A_395 = arith.addf %add3A_371, %get3A_394 : vector<16xf32>
        %add3A_396 = arith.constant 9 : i32
        %add3A_397 = arith.addi %mul3A_192, %add3A_396 : i32
        %get3A_398 = arith.index_cast %add3A_397 : i32 to index
        %get3A_399 = arith.constant 0 : index
        %get3A_400 = tpu.vector_load %arg11[%get3A_398, %get3A_399] {strides = array<i32>} : memref<640x64xf32, #tpu.memory_space<vmem>>, vector<16xf32>,
        %add3A_401 = arith.addf %add3A_377, %get3A_400 : vector<16xf32>
        %add3A_402 = arith.constant 9 : i32
        %add3A_403 = arith.addi %mul3A_192, %add3A_402 : i32
        %get3A_404 = arith.index_cast %add3A_403 : i32 to index
        %get3A_405 = arith.constant 16 : index
        %get3A_406 = tpu.vector_load %arg11[%get3A_404, %get3A_405] {strides = array<i32>} : memref<640x64xf32, #tpu.memory_space<vmem>>, vector<16xf32>,
        %add3A_407 = arith.addf %add3A_383, %get3A_406 : vector<16xf32>
        %add3A_408 = arith.constant 9 : i32
        %add3A_409 = arith.addi %mul3A_192, %add3A_408 : i32
        %get3A_410 = arith.index_cast %add3A_409 : i32 to index
        %get3A_411 = arith.constant 32 : index
        %get3A_412 = tpu.vector_load %arg11[%get3A_410, %get3A_411] {strides = array<i32>} : memref<640x64xf32, #tpu.memory_space<vmem>>, vector<16xf32>,
        %add3A_413 = arith.addf %add3A_389, %get3A_412 : vector<16xf32>
        %add3A_414 = arith.constant 9 : i32
        %add3A_415 = arith.addi %mul3A_192, %add3A_414 : i32
        %get3A_416 = arith.index_cast %add3A_415 : i32 to index
        %get3A_417 = arith.constant 48 : index
        %get3A_418 = tpu.vector_load %arg11[%get3A_416, %get3A_417] {strides = array<i32>} : memref<640x64xf32, #tpu.memory_space<vmem>>, vector<16xf32>,
        %add3A_419 = arith.addf %add3A_395, %get3A_418 : vector<16xf32>
        %add3A_420 = arith.constant 10 : i32
        %add3A_421 = arith.addi %mul3A_192, %add3A_420 : i32
        %get3A_422 = arith.index_cast %add3A_421 : i32 to index
        %get3A_423 = arith.constant 0 : index
        %get3A_424 = tpu.vector_load %arg11[%get3A_422, %get3A_423] {strides = array<i32>} : memref<640x64xf32, #tpu.memory_space<vmem>>, vector<16xf32>,
        %add3A_425 = arith.addf %add3A_401, %get3A_424 : vector<16xf32>
        %add3A_426 = arith.constant 10 : i32
        %add3A_427 = arith.addi %mul3A_192, %add3A_426 : i32
        %get3A_428 = arith.index_cast %add3A_427 : i32 to index
        %get3A_429 = arith.constant 16 : index
        %get3A_430 = tpu.vector_load %arg11[%get3A_428, %get3A_429] {strides = array<i32>} : memref<640x64xf32, #tpu.memory_space<vmem>>, vector<16xf32>,
        %add3A_431 = arith.addf %add3A_407, %get3A_430 : vector<16xf32>
        %add3A_432 = arith.constant 10 : i32
        %add3A_433 = arith.addi %mul3A_192, %add3A_432 : i32
        %get3A_434 = arith.index_cast %add3A_433 : i32 to index
        %get3A_435 = arith.constant 32 : index
        %get3A_436 = tpu.vector_load %arg11[%get3A_434, %get3A_435] {strides = array<i32>} : memref<640x64xf32, #tpu.memory_space<vmem>>, vector<16xf32>,
        %add3A_437 = arith.addf %add3A_413, %get3A_436 : vector<16xf32>
        %add3A_438 = arith.constant 10 : i32
        %add3A_439 = arith.addi %mul3A_192, %add3A_438 : i32
        %get3A_440 = arith.index_cast %add3A_439 : i32 to index
        %get3A_441 = arith.constant 48 : index
        %get3A_442 = tpu.vector_load %arg11[%get3A_440, %get3A_441] {strides = array<i32>} : memref<640x64xf32, #tpu.memory_space<vmem>>, vector<16xf32>,
        %add3A_443 = arith.addf %add3A_419, %get3A_442 : vector<16xf32>
        %add3A_444 = arith.constant 11 : i32
        %add3A_445 = arith.addi %mul3A_192, %add3A_444 : i32
        %get3A_446 = arith.index_cast %add3A_445 : i32 to index
        %get3A_447 = arith.constant 0 : index
        %get3A_448 = tpu.vector_load %arg11[%get3A_446, %get3A_447] {strides = array<i32>} : memref<640x64xf32, #tpu.memory_space<vmem>>, vector<16xf32>,
        %add3A_449 = arith.addf %add3A_425, %get3A_448 : vector<16xf32>
        %add3A_450 = arith.constant 11 : i32
        %add3A_451 = arith.addi %mul3A_192, %add3A_450 : i32
        %get3A_452 = arith.index_cast %add3A_451 : i32 to index
        %get3A_453 = arith.constant 16 : index
        %get3A_454 = tpu.vector_load %arg11[%get3A_452, %get3A_453] {strides = array<i32>} : memref<640x64xf32, #tpu.memory_space<vmem>>, vector<16xf32>,
        %add3A_455 = arith.addf %add3A_431, %get3A_454 : vector<16xf32>
        %add3A_456 = arith.constant 11 : i32
        %add3A_457 = arith.addi %mul3A_192, %add3A_456 : i32
        %get3A_458 = arith.index_cast %add3A_457 : i32 to index
        %get3A_459 = arith.constant 32 : index
        %get3A_460 = tpu.vector_load %arg11[%get3A_458, %get3A_459] {strides = array<i32>} : memref<640x64xf32, #tpu.memory_space<vmem>>, vector<16xf32>,
        %add3A_461 = arith.addf %add3A_437, %get3A_460 : vector<16xf32>
        %add3A_462 = arith.constant 11 : i32
        %add3A_463 = arith.addi %mul3A_192, %add3A_462 : i32
        %get3A_464 = arith.index_cast %add3A_463 : i32 to index
        %get3A_465 = arith.constant 48 : index
        %get3A_466 = tpu.vector_load %arg11[%get3A_464, %get3A_465] {strides = array<i32>} : memref<640x64xf32, #tpu.memory_space<vmem>>, vector<16xf32>,
        %add3A_467 = arith.addf %add3A_443, %get3A_466 : vector<16xf32>
        %add3A_468 = arith.constant 12 : i32
        %add3A_469 = arith.addi %mul3A_192, %add3A_468 : i32
        %get3A_470 = arith.index_cast %add3A_469 : i32 to index
        %get3A_471 = arith.constant 0 : index
        %get3A_472 = tpu.vector_load %arg11[%get3A_470, %get3A_471] {strides = array<i32>} : memref<640x64xf32, #tpu.memory_space<vmem>>, vector<16xf32>,
        %add3A_473 = arith.addf %add3A_449, %get3A_472 : vector<16xf32>
        %add3A_474 = arith.constant 12 : i32
        %add3A_475 = arith.addi %mul3A_192, %add3A_474 : i32
        %get3A_476 = arith.index_cast %add3A_475 : i32 to index
        %get3A_477 = arith.constant 16 : index
        %get3A_478 = tpu.vector_load %arg11[%get3A_476, %get3A_477] {strides = array<i32>} : memref<640x64xf32, #tpu.memory_space<vmem>>, vector<16xf32>,
        %add3A_479 = arith.addf %add3A_455, %get3A_478 : vector<16xf32>
        %add3A_480 = arith.constant 12 : i32
        %add3A_481 = arith.addi %mul3A_192, %add3A_480 : i32
        %get3A_482 = arith.index_cast %add3A_481 : i32 to index
        %get3A_483 = arith.constant 32 : index
        %get3A_484 = tpu.vector_load %arg11[%get3A_482, %get3A_483] {strides = array<i32>} : memref<640x64xf32, #tpu.memory_space<vmem>>, vector<16xf32>,
        %add3A_485 = arith.addf %add3A_461, %get3A_484 : vector<16xf32>
        %add3A_486 = arith.constant 12 : i32
        %add3A_487 = arith.addi %mul3A_192, %add3A_486 : i32
        %get3A_488 = arith.index_cast %add3A_487 : i32 to index
        %get3A_489 = arith.constant 48 : index
        %get3A_490 = tpu.vector_load %arg11[%get3A_488, %get3A_489] {strides = array<i32>} : memref<640x64xf32, #tpu.memory_space<vmem>>, vector<16xf32>,
        %add3A_491 = arith.addf %add3A_467, %get3A_490 : vector<16xf32>
        %add3A_492 = arith.constant 13 : i32
        %add3A_493 = arith.addi %mul3A_192, %add3A_492 : i32
        %get3A_494 = arith.index_cast %add3A_493 : i32 to index
        %get3A_495 = arith.constant 0 : index
        %get3A_496 = tpu.vector_load %arg11[%get3A_494, %get3A_495] {strides = array<i32>} : memref<640x64xf32, #tpu.memory_space<vmem>>, vector<16xf32>,
        %add3A_497 = arith.addf %add3A_473, %get3A_496 : vector<16xf32>
        %add3A_498 = arith.constant 13 : i32
        %add3A_499 = arith.addi %mul3A_192, %add3A_498 : i32
        %get3A_500 = arith.index_cast %add3A_499 : i32 to index
        %get3A_501 = arith.constant 16 : index
        %get3A_502 = tpu.vector_load %arg11[%get3A_500, %get3A_501] {strides = array<i32>} : memref<640x64xf32, #tpu.memory_space<vmem>>, vector<16xf32>,
        %add3A_503 = arith.addf %add3A_479, %get3A_502 : vector<16xf32>
        %add3A_504 = arith.constant 13 : i32
        %add3A_505 = arith.addi %mul3A_192, %add3A_504 : i32
        %get3A_506 = arith.index_cast %add3A_505 : i32 to index
        %get3A_507 = arith.constant 32 : index
        %get3A_508 = tpu.vector_load %arg11[%get3A_506, %get3A_507] {strides = array<i32>} : memref<640x64xf32, #tpu.memory_space<vmem>>, vector<16xf32>,
        %add3A_509 = arith.addf %add3A_485, %get3A_508 : vector<16xf32>
        %add3A_510 = arith.constant 13 : i32
        %add3A_511 = arith.addi %mul3A_192, %add3A_510 : i32
        %get3A_512 = arith.index_cast %add3A_511 : i32 to index
        %get3A_513 = arith.constant 48 : index
        %get3A_514 = tpu.vector_load %arg11[%get3A_512, %get3A_513] {strides = array<i32>} : memref<640x64xf32, #tpu.memory_space<vmem>>, vector<16xf32>,
        %add3A_515 = arith.addf %add3A_491, %get3A_514 : vector<16xf32>
        %add3A_516 = arith.constant 14 : i32
        %add3A_517 = arith.addi %mul3A_192, %add3A_516 : i32
        %get3A_518 = arith.index_cast %add3A_517 : i32 to index
        %get3A_519 = arith.constant 0 : index
        %get3A_520 = tpu.vector_load %arg11[%get3A_518, %get3A_519] {strides = array<i32>} : memref<640x64xf32, #tpu.memory_space<vmem>>, vector<16xf32>,
        %add3A_521 = arith.addf %add3A_497, %get3A_520 : vector<16xf32>
        %add3A_522 = arith.constant 14 : i32
        %add3A_523 = arith.addi %mul3A_192, %add3A_522 : i32
        %get3A_524 = arith.index_cast %add3A_523 : i32 to index
        %get3A_525 = arith.constant 16 : index
        %get3A_526 = tpu.vector_load %arg11[%get3A_524, %get3A_525] {strides = array<i32>} : memref<640x64xf32, #tpu.memory_space<vmem>>, vector<16xf32>,
        %add3A_527 = arith.addf %add3A_503, %get3A_526 : vector<16xf32>
        %add3A_528 = arith.constant 14 : i32
        %add3A_529 = arith.addi %mul3A_192, %add3A_528 : i32
        %get3A_530 = arith.index_cast %add3A_529 : i32 to index
        %get3A_531 = arith.constant 32 : index
        %get3A_532 = tpu.vector_load %arg11[%get3A_530, %get3A_531] {strides = array<i32>} : memref<640x64xf32, #tpu.memory_space<vmem>>, vector<16xf32>,
        %add3A_533 = arith.addf %add3A_509, %get3A_532 : vector<16xf32>
        %add3A_534 = arith.constant 14 : i32
        %add3A_535 = arith.addi %mul3A_192, %add3A_534 : i32
        %get3A_536 = arith.index_cast %add3A_535 : i32 to index
        %get3A_537 = arith.constant 48 : index
        %get3A_538 = tpu.vector_load %arg11[%get3A_536, %get3A_537] {strides = array<i32>} : memref<640x64xf32, #tpu.memory_space<vmem>>, vector<16xf32>,
        %add3A_539 = arith.addf %add3A_515, %get3A_538 : vector<16xf32>
        %add3A_540 = arith.constant 15 : i32
        %add3A_541 = arith.addi %mul3A_192, %add3A_540 : i32
        %get3A_542 = arith.index_cast %add3A_541 : i32 to index
        %get3A_543 = arith.constant 0 : index
        %get3A_544 = tpu.vector_load %arg11[%get3A_542, %get3A_543] {strides = array<i32>} : memref<640x64xf32, #tpu.memory_space<vmem>>, vector<16xf32>,
        %add3A_545 = arith.addf %add3A_521, %get3A_544 : vector<16xf32>
        %add3A_546 = arith.constant 15 : i32
        %add3A_547 = arith.addi %mul3A_192, %add3A_546 : i32
        %get3A_548 = arith.index_cast %add3A_547 : i32 to index
        %get3A_549 = arith.constant 16 : index
        %get3A_550 = tpu.vector_load %arg11[%get3A_548, %get3A_549] {strides = array<i32>} : memref<640x64xf32, #tpu.memory_space<vmem>>, vector<16xf32>,
        %add3A_551 = arith.addf %add3A_527, %get3A_550 : vector<16xf32>
        %add3A_552 = arith.constant 15 : i32
        %add3A_553 = arith.addi %mul3A_192, %add3A_552 : i32
        %get3A_554 = arith.index_cast %add3A_553 : i32 to index
        %get3A_555 = arith.constant 32 : index
        %get3A_556 = tpu.vector_load %arg11[%get3A_554, %get3A_555] {strides = array<i32>} : memref<640x64xf32, #tpu.memory_space<vmem>>, vector<16xf32>,
        %add3A_557 = arith.addf %add3A_533, %get3A_556 : vector<16xf32>
        %add3A_558 = arith.constant 15 : i32
        %add3A_559 = arith.addi %mul3A_192, %add3A_558 : i32
        %get3A_560 = arith.index_cast %add3A_559 : i32 to index
        %get3A_561 = arith.constant 48 : index
        %get3A_562 = tpu.vector_load %arg11[%get3A_560, %get3A_561] {strides = array<i32>} : memref<640x64xf32, #tpu.memory_space<vmem>>, vector<16xf32>,
        %add3A_563 = arith.addf %add3A_539, %get3A_562 : vector<16xf32>
        %add3A_564 = arith.constant 16 : i32
        %add3A_565 = arith.addi %mul3A_192, %add3A_564 : i32
        %get3A_566 = arith.index_cast %add3A_565 : i32 to index
        %get3A_567 = arith.constant 0 : index
        %get3A_568 = tpu.vector_load %arg11[%get3A_566, %get3A_567] {strides = array<i32>} : memref<640x64xf32, #tpu.memory_space<vmem>>, vector<16xf32>,
        %add3A_569 = arith.addf %add3A_545, %get3A_568 : vector<16xf32>
        %add3A_570 = arith.constant 16 : i32
        %add3A_571 = arith.addi %mul3A_192, %add3A_570 : i32
        %get3A_572 = arith.index_cast %add3A_571 : i32 to index
        %get3A_573 = arith.constant 16 : index
        %get3A_574 = tpu.vector_load %arg11[%get3A_572, %get3A_573] {strides = array<i32>} : memref<640x64xf32, #tpu.memory_space<vmem>>, vector<16xf32>,
        %add3A_575 = arith.addf %add3A_551, %get3A_574 : vector<16xf32>
        %add3A_576 = arith.constant 16 : i32
        %add3A_577 = arith.addi %mul3A_192, %add3A_576 : i32
        %get3A_578 = arith.index_cast %add3A_577 : i32 to index
        %get3A_579 = arith.constant 32 : index
        %get3A_580 = tpu.vector_load %arg11[%get3A_578, %get3A_579] {strides = array<i32>} : memref<640x64xf32, #tpu.memory_space<vmem>>, vector<16xf32>,
        %add3A_581 = arith.addf %add3A_557, %get3A_580 : vector<16xf32>
        %add3A_582 = arith.constant 16 : i32
        %add3A_583 = arith.addi %mul3A_192, %add3A_582 : i32
        %get3A_584 = arith.index_cast %add3A_583 : i32 to index
        %get3A_585 = arith.constant 48 : index
        %get3A_586 = tpu.vector_load %arg11[%get3A_584, %get3A_585] {strides = array<i32>} : memref<640x64xf32, #tpu.memory_space<vmem>>, vector<16xf32>,
        %add3A_587 = arith.addf %add3A_563, %get3A_586 : vector<16xf32>
        %add3A_588 = arith.constant 17 : i32
        %add3A_589 = arith.addi %mul3A_192, %add3A_588 : i32
        %get3A_590 = arith.index_cast %add3A_589 : i32 to index
        %get3A_591 = arith.constant 0 : index
        %get3A_592 = tpu.vector_load %arg11[%get3A_590, %get3A_591] {strides = array<i32>} : memref<640x64xf32, #tpu.memory_space<vmem>>, vector<16xf32>,
        %add3A_593 = arith.addf %add3A_569, %get3A_592 : vector<16xf32>
        %add3A_594 = arith.constant 17 : i32
        %add3A_595 = arith.addi %mul3A_192, %add3A_594 : i32
        %get3A_596 = arith.index_cast %add3A_595 : i32 to index
        %get3A_597 = arith.constant 16 : index
        %get3A_598 = tpu.vector_load %arg11[%get3A_596, %get3A_597] {strides = array<i32>} : memref<640x64xf32, #tpu.memory_space<vmem>>, vector<16xf32>,
        %add3A_599 = arith.addf %add3A_575, %get3A_598 : vector<16xf32>
        %add3A_600 = arith.constant 17 : i32
        %add3A_601 = arith.addi %mul3A_192, %add3A_600 : i32
        %get3A_602 = arith.index_cast %add3A_601 : i32 to index
        %get3A_603 = arith.constant 32 : index
        %get3A_604 = tpu.vector_load %arg11[%get3A_602, %get3A_603] {strides = array<i32>} : memref<640x64xf32, #tpu.memory_space<vmem>>, vector<16xf32>,
        %add3A_605 = arith.addf %add3A_581, %get3A_604 : vector<16xf32>
        %add3A_606 = arith.constant 17 : i32
        %add3A_607 = arith.addi %mul3A_192, %add3A_606 : i32
        %get3A_608 = arith.index_cast %add3A_607 : i32 to index
        %get3A_609 = arith.constant 48 : index
        %get3A_610 = tpu.vector_load %arg11[%get3A_608, %get3A_609] {strides = array<i32>} : memref<640x64xf32, #tpu.memory_space<vmem>>, vector<16xf32>,
        %add3A_611 = arith.addf %add3A_587, %get3A_610 : vector<16xf32>
        %add3A_612 = arith.constant 18 : i32
        %add3A_613 = arith.addi %mul3A_192, %add3A_612 : i32
        %get3A_614 = arith.index_cast %add3A_613 : i32 to index
        %get3A_615 = arith.constant 0 : index
        %get3A_616 = tpu.vector_load %arg11[%get3A_614, %get3A_615] {strides = array<i32>} : memref<640x64xf32, #tpu.memory_space<vmem>>, vector<16xf32>,
        %add3A_617 = arith.addf %add3A_593, %get3A_616 : vector<16xf32>
        %add3A_618 = arith.constant 18 : i32
        %add3A_619 = arith.addi %mul3A_192, %add3A_618 : i32
        %get3A_620 = arith.index_cast %add3A_619 : i32 to index
        %get3A_621 = arith.constant 16 : index
        %get3A_622 = tpu.vector_load %arg11[%get3A_620, %get3A_621] {strides = array<i32>} : memref<640x64xf32, #tpu.memory_space<vmem>>, vector<16xf32>,
        %add3A_623 = arith.addf %add3A_599, %get3A_622 : vector<16xf32>
        %add3A_624 = arith.constant 18 : i32
        %add3A_625 = arith.addi %mul3A_192, %add3A_624 : i32
        %get3A_626 = arith.index_cast %add3A_625 : i32 to index
        %get3A_627 = arith.constant 32 : index
        %get3A_628 = tpu.vector_load %arg11[%get3A_626, %get3A_627] {strides = array<i32>} : memref<640x64xf32, #tpu.memory_space<vmem>>, vector<16xf32>,
        %add3A_629 = arith.addf %add3A_605, %get3A_628 : vector<16xf32>
        %add3A_630 = arith.constant 18 : i32
        %add3A_631 = arith.addi %mul3A_192, %add3A_630 : i32
        %get3A_632 = arith.index_cast %add3A_631 : i32 to index
        %get3A_633 = arith.constant 48 : index
        %get3A_634 = tpu.vector_load %arg11[%get3A_632, %get3A_633] {strides = array<i32>} : memref<640x64xf32, #tpu.memory_space<vmem>>, vector<16xf32>,
        %add3A_635 = arith.addf %add3A_611, %get3A_634 : vector<16xf32>
        %add3A_636 = arith.constant 19 : i32
        %add3A_637 = arith.addi %mul3A_192, %add3A_636 : i32
        %get3A_638 = arith.index_cast %add3A_637 : i32 to index
        %get3A_639 = arith.constant 0 : index
        %get3A_640 = tpu.vector_load %arg11[%get3A_638, %get3A_639] {strides = array<i32>} : memref<640x64xf32, #tpu.memory_space<vmem>>, vector<16xf32>,
        %add3A_641 = arith.addf %add3A_617, %get3A_640 : vector<16xf32>
        %add3A_642 = arith.constant 19 : i32
        %add3A_643 = arith.addi %mul3A_192, %add3A_642 : i32
        %get3A_644 = arith.index_cast %add3A_643 : i32 to index
        %get3A_645 = arith.constant 16 : index
        %get3A_646 = tpu.vector_load %arg11[%get3A_644, %get3A_645] {strides = array<i32>} : memref<640x64xf32, #tpu.memory_space<vmem>>, vector<16xf32>,
        %add3A_647 = arith.addf %add3A_623, %get3A_646 : vector<16xf32>
        %add3A_648 = arith.constant 19 : i32
        %add3A_649 = arith.addi %mul3A_192, %add3A_648 : i32
        %get3A_650 = arith.index_cast %add3A_649 : i32 to index
        %get3A_651 = arith.constant 32 : index
        %get3A_652 = tpu.vector_load %arg11[%get3A_650, %get3A_651] {strides = array<i32>} : memref<640x64xf32, #tpu.memory_space<vmem>>, vector<16xf32>,
        %add3A_653 = arith.addf %add3A_629, %get3A_652 : vector<16xf32>
        %add3A_654 = arith.constant 19 : i32
        %add3A_655 = arith.addi %mul3A_192, %add3A_654 : i32
        %get3A_656 = arith.index_cast %add3A_655 : i32 to index
        %get3A_657 = arith.constant 48 : index
        %get3A_658 = tpu.vector_load %arg11[%get3A_656, %get3A_657] {strides = array<i32>} : memref<640x64xf32, #tpu.memory_space<vmem>>, vector<16xf32>,
        %add3A_659 = arith.addf %add3A_635, %get3A_658 : vector<16xf32>
        %mul3A_660 = arith.constant 5.000000e-02 : f32
        %mul3A_661 = vector.broadcast %mul3A_660 : f32 to vector<16xf32>
        %mul3A_662 = arith.mulf %add3A_641, %mul3A_661 : vector<16xf32>
        %mul3A_663 = arith.constant 5.000000e-02 : f32
        %mul3A_664 = vector.broadcast %mul3A_663 : f32 to vector<16xf32>
        %mul3A_665 = arith.mulf %add3A_647, %mul3A_664 : vector<16xf32>
        %mul3A_666 = arith.constant 5.000000e-02 : f32
        %mul3A_667 = vector.broadcast %mul3A_666 : f32 to vector<16xf32>
        %mul3A_668 = arith.mulf %add3A_653, %mul3A_667 : vector<16xf32>
        %mul3A_669 = arith.constant 5.000000e-02 : f32
        %mul3A_670 = vector.broadcast %mul3A_669 : f32 to vector<16xf32>
        %mul3A_671 = arith.mulf %add3A_659, %mul3A_670 : vector<16xf32>
        %broadcast_in_dim3A = arith.constant 0.000000e+00 : f32
        %broadcast_in_dim3A_672 = vector.broadcast %broadcast_in_dim3A : f32 to vector<16xf32>
        %eq3A = arith.constant 4 : i32
        %eq3A_673 = vector.broadcast %eq3A : i32 to vector<16xi32>
        %eq3A_674 = arith.cmpi eq, %iota3A, %eq3A_673 : vector<16xi32>
        %add3A_675 = arith.constant 640 : i32
        %add3A_676 = arith.addi %add3A_675, %scan3A_190 : i32
        %get3A_677 = arith.index_cast %add3A_676 : i32 to index
        %get3A_678 = arith.constant 0 : index
        %get3A_679 = tpu.vector_load %arg12[%get3A_677, %get3A_678] {strides = array<i32>} : memref<672x64xf32, #tpu.memory_space<vmem>>, vector<16xf32>,
        %mul3A_680 = arith.mulf %mul3A_662, %get3A_679 : vector<16xf32>
        %get3A_681 = arith.index_cast %add3A_676 : i32 to index
        %get3A_682 = arith.constant 16 : index
        %get3A_683 = tpu.vector_load %arg12[%get3A_681, %get3A_682] {strides = array<i32>} : memref<672x64xf32, #tpu.memory_space<vmem>>, vector<16xf32>,
        %mul3A_684 = arith.mulf %mul3A_665, %get3A_683 : vector<16xf32>
        %add3A_685 = arith.addf %mul3A_680, %mul3A_684 : vector<16xf32>
        %get3A_686 = arith.index_cast %add3A_676 : i32 to index
        %get3A_687 = arith.constant 32 : index
        %get3A_688 = tpu.vector_load %arg12[%get3A_686, %get3A_687] {strides = array<i32>} : memref<672x64xf32, #tpu.memory_space<vmem>>, vector<16xf32>,
        %mul3A_689 = arith.mulf %mul3A_668, %get3A_688 : vector<16xf32>
        %add3A_690 = arith.addf %add3A_685, %mul3A_689 : vector<16xf32>
        %get3A_691 = arith.index_cast %add3A_676 : i32 to index
        %get3A_692 = arith.constant 48 : index
        %get3A_693 = tpu.vector_load %arg12[%get3A_691, %get3A_692] {strides = array<i32>} : memref<672x64xf32, #tpu.memory_space<vmem>>, vector<16xf32>,
        %mul3A_694 = arith.mulf %mul3A_671, %get3A_693 : vector<16xf32>
        %add3A_695 = arith.addf %add3A_690, %mul3A_694 : vector<16xf32>
        %reduce_sum3A = arith.constant true
        %reduce_sum3A_696 = vector.broadcast %reduce_sum3A : i1 to vector<16xi1>
        %reduce_sum3A_697 = tpu.scan <sum>, %add3A_695 masked %reduce_sum3A_696 : vector<16xf32>, vector<16xi1> -> vector<16xf32>
        %reduce_sum3A_698 = vector.extract %reduce_sum3A_697[15] : f32 from vector<16xf32>
        %broadcast_in_dim3A_699 = arith.constant 0.000000e+00 : f32
        %broadcast_in_dim3A_700 = vector.broadcast %broadcast_in_dim3A_699 : f32 to vector<16xf32>
        %broadcast_in_dim3A_701 = vector.broadcast %reduce_sum3A_698 : f32 to vector<16xf32>
        %select_n3A = arith.select %eq3A_674, %broadcast_in_dim3A_701, %broadcast_in_dim3A_700 : vector<16xi1>, vector<16xf32>
        %add3A_702 = arith.constant 0 : i32
        %add3A_703 = arith.addi %mul3A_192, %add3A_702 : i32
        %get3A_704 = arith.index_cast %add3A_703 : i32 to index
        %get3A_705 = arith.constant 0 : index
        %get3A_706 = tpu.vector_load %arg12[%get3A_704, %get3A_705] {strides = array<i32>} : memref<672x64xf32, #tpu.memory_space<vmem>>, vector<16xf32>,
        %mul3A_707 = arith.mulf %mul3A_662, %get3A_706 : vector<16xf32>
        %get3A_708 = arith.index_cast %add3A_703 : i32 to index
        %get3A_709 = arith.constant 16 : index
        %get3A_710 = tpu.vector_load %arg12[%get3A_708, %get3A_709] {strides = array<i32>} : memref<672x64xf32, #tpu.memory_space<vmem>>, vector<16xf32>,
        %mul3A_711 = arith.mulf %mul3A_665, %get3A_710 : vector<16xf32>
        %add3A_712 = arith.addf %mul3A_707, %mul3A_711 : vector<16xf32>
        %get3A_713 = arith.index_cast %add3A_703 : i32 to index
        %get3A_714 = arith.constant 32 : index
        %get3A_715 = tpu.vector_load %arg12[%get3A_713, %get3A_714] {strides = array<i32>} : memref<672x64xf32, #tpu.memory_space<vmem>>, vector<16xf32>,
        %mul3A_716 = arith.mulf %mul3A_668, %get3A_715 : vector<16xf32>
        %add3A_717 = arith.addf %add3A_712, %mul3A_716 : vector<16xf32>
        %get3A_718 = arith.index_cast %add3A_703 : i32 to index
        %get3A_719 = arith.constant 48 : index
        %get3A_720 = tpu.vector_load %arg12[%get3A_718, %get3A_719] {strides = array<i32>} : memref<672x64xf32, #tpu.memory_space<vmem>>, vector<16xf32>,
        %mul3A_721 = arith.mulf %mul3A_671, %get3A_720 : vector<16xf32>
        %add3A_722 = arith.addf %add3A_717, %mul3A_721 : vector<16xf32>
        %reduce_sum3A_723 = arith.constant true
        %reduce_sum3A_724 = vector.broadcast %reduce_sum3A_723 : i1 to vector<16xi1>
        %reduce_sum3A_725 = tpu.scan <sum>, %add3A_722 masked %reduce_sum3A_724 : vector<16xf32>, vector<16xi1> -> vector<16xf32>
        %reduce_sum3A_726 = vector.extract %reduce_sum3A_725[15] : f32 from vector<16xf32>
        %eq3A_727 = arith.constant 0 : i32
        %eq3A_728 = vector.broadcast %eq3A_727 : i32 to vector<16xi32>
        %eq3A_729 = arith.cmpi eq, %iota3A, %eq3A_728 : vector<16xi32>
        %broadcast_in_dim3A_730 = vector.broadcast %reduce_sum3A_726 : f32 to vector<16xf32>
        %select_n3A_731 = arith.select %eq3A_729, %broadcast_in_dim3A_730, %broadcast_in_dim3A_672 : vector<16xi1>, vector<16xf32>
        %add3A_732 = arith.constant 1 : i32
        %add3A_733 = arith.addi %mul3A_192, %add3A_732 : i32
        %get3A_734 = arith.index_cast %add3A_733 : i32 to index
        %get3A_735 = arith.constant 0 : index
        %get3A_736 = tpu.vector_load %arg12[%get3A_734, %get3A_735] {strides = array<i32>} : memref<672x64xf32, #tpu.memory_space<vmem>>, vector<16xf32>,
        %mul3A_737 = arith.mulf %mul3A_662, %get3A_736 : vector<16xf32>
        %get3A_738 = arith.index_cast %add3A_733 : i32 to index
        %get3A_739 = arith.constant 16 : index
        %get3A_740 = tpu.vector_load %arg12[%get3A_738, %get3A_739] {strides = array<i32>} : memref<672x64xf32, #tpu.memory_space<vmem>>, vector<16xf32>,
        %mul3A_741 = arith.mulf %mul3A_665, %get3A_740 : vector<16xf32>
        %add3A_742 = arith.addf %mul3A_737, %mul3A_741 : vector<16xf32>
        %get3A_743 = arith.index_cast %add3A_733 : i32 to index
        %get3A_744 = arith.constant 32 : index
        %get3A_745 = tpu.vector_load %arg12[%get3A_743, %get3A_744] {strides = array<i32>} : memref<672x64xf32, #tpu.memory_space<vmem>>, vector<16xf32>,
        %mul3A_746 = arith.mulf %mul3A_668, %get3A_745 : vector<16xf32>
        %add3A_747 = arith.addf %add3A_742, %mul3A_746 : vector<16xf32>
        %get3A_748 = arith.index_cast %add3A_733 : i32 to index
        %get3A_749 = arith.constant 48 : index
        %get3A_750 = tpu.vector_load %arg12[%get3A_748, %get3A_749] {strides = array<i32>} : memref<672x64xf32, #tpu.memory_space<vmem>>, vector<16xf32>,
        %mul3A_751 = arith.mulf %mul3A_671, %get3A_750 : vector<16xf32>
        %add3A_752 = arith.addf %add3A_747, %mul3A_751 : vector<16xf32>
        %reduce_sum3A_753 = arith.constant true
        %reduce_sum3A_754 = vector.broadcast %reduce_sum3A_753 : i1 to vector<16xi1>
        %reduce_sum3A_755 = tpu.scan <sum>, %add3A_752 masked %reduce_sum3A_754 : vector<16xf32>, vector<16xi1> -> vector<16xf32>
        %reduce_sum3A_756 = vector.extract %reduce_sum3A_755[15] : f32 from vector<16xf32>
        %eq3A_757 = arith.constant 1 : i32
        %eq3A_758 = vector.broadcast %eq3A_757 : i32 to vector<16xi32>
        %eq3A_759 = arith.cmpi eq, %iota3A, %eq3A_758 : vector<16xi32>
        %broadcast_in_dim3A_760 = vector.broadcast %reduce_sum3A_756 : f32 to vector<16xf32>
        %select_n3A_761 = arith.select %eq3A_759, %broadcast_in_dim3A_760, %select_n3A_731 : vector<16xi1>, vector<16xf32>
        %add3A_762 = arith.constant 2 : i32
        %add3A_763 = arith.addi %mul3A_192, %add3A_762 : i32
        %get3A_764 = arith.index_cast %add3A_763 : i32 to index
        %get3A_765 = arith.constant 0 : index
        %get3A_766 = tpu.vector_load %arg12[%get3A_764, %get3A_765] {strides = array<i32>} : memref<672x64xf32, #tpu.memory_space<vmem>>, vector<16xf32>,
        %mul3A_767 = arith.mulf %mul3A_662, %get3A_766 : vector<16xf32>
        %get3A_768 = arith.index_cast %add3A_763 : i32 to index
        %get3A_769 = arith.constant 16 : index
        %get3A_770 = tpu.vector_load %arg12[%get3A_768, %get3A_769] {strides = array<i32>} : memref<672x64xf32, #tpu.memory_space<vmem>>, vector<16xf32>,
        %mul3A_771 = arith.mulf %mul3A_665, %get3A_770 : vector<16xf32>
        %add3A_772 = arith.addf %mul3A_767, %mul3A_771 : vector<16xf32>
        %get3A_773 = arith.index_cast %add3A_763 : i32 to index
        %get3A_774 = arith.constant 32 : index
        %get3A_775 = tpu.vector_load %arg12[%get3A_773, %get3A_774] {strides = array<i32>} : memref<672x64xf32, #tpu.memory_space<vmem>>, vector<16xf32>,
        %mul3A_776 = arith.mulf %mul3A_668, %get3A_775 : vector<16xf32>
        %add3A_777 = arith.addf %add3A_772, %mul3A_776 : vector<16xf32>
        %get3A_778 = arith.index_cast %add3A_763 : i32 to index
        %get3A_779 = arith.constant 48 : index
        %get3A_780 = tpu.vector_load %arg12[%get3A_778, %get3A_779] {strides = array<i32>} : memref<672x64xf32, #tpu.memory_space<vmem>>, vector<16xf32>,
        %mul3A_781 = arith.mulf %mul3A_671, %get3A_780 : vector<16xf32>
        %add3A_782 = arith.addf %add3A_777, %mul3A_781 : vector<16xf32>
        %reduce_sum3A_783 = arith.constant true
        %reduce_sum3A_784 = vector.broadcast %reduce_sum3A_783 : i1 to vector<16xi1>
        %reduce_sum3A_785 = tpu.scan <sum>, %add3A_782 masked %reduce_sum3A_784 : vector<16xf32>, vector<16xi1> -> vector<16xf32>
        %reduce_sum3A_786 = vector.extract %reduce_sum3A_785[15] : f32 from vector<16xf32>
        %eq3A_787 = arith.constant 2 : i32
        %eq3A_788 = vector.broadcast %eq3A_787 : i32 to vector<16xi32>
        %eq3A_789 = arith.cmpi eq, %iota3A, %eq3A_788 : vector<16xi32>
        %broadcast_in_dim3A_790 = vector.broadcast %reduce_sum3A_786 : f32 to vector<16xf32>
        %select_n3A_791 = arith.select %eq3A_789, %broadcast_in_dim3A_790, %select_n3A_761 : vector<16xi1>, vector<16xf32>
        %add3A_792 = arith.constant 3 : i32
        %add3A_793 = arith.addi %mul3A_192, %add3A_792 : i32
        %get3A_794 = arith.index_cast %add3A_793 : i32 to index
        %get3A_795 = arith.constant 0 : index
        %get3A_796 = tpu.vector_load %arg12[%get3A_794, %get3A_795] {strides = array<i32>} : memref<672x64xf32, #tpu.memory_space<vmem>>, vector<16xf32>,
        %mul3A_797 = arith.mulf %mul3A_662, %get3A_796 : vector<16xf32>
        %get3A_798 = arith.index_cast %add3A_793 : i32 to index
        %get3A_799 = arith.constant 16 : index
        %get3A_800 = tpu.vector_load %arg12[%get3A_798, %get3A_799] {strides = array<i32>} : memref<672x64xf32, #tpu.memory_space<vmem>>, vector<16xf32>,
        %mul3A_801 = arith.mulf %mul3A_665, %get3A_800 : vector<16xf32>
        %add3A_802 = arith.addf %mul3A_797, %mul3A_801 : vector<16xf32>
        %get3A_803 = arith.index_cast %add3A_793 : i32 to index
        %get3A_804 = arith.constant 32 : index
        %get3A_805 = tpu.vector_load %arg12[%get3A_803, %get3A_804] {strides = array<i32>} : memref<672x64xf32, #tpu.memory_space<vmem>>, vector<16xf32>,
        %mul3A_806 = arith.mulf %mul3A_668, %get3A_805 : vector<16xf32>
        %add3A_807 = arith.addf %add3A_802, %mul3A_806 : vector<16xf32>
        %get3A_808 = arith.index_cast %add3A_793 : i32 to index
        %get3A_809 = arith.constant 48 : index
        %get3A_810 = tpu.vector_load %arg12[%get3A_808, %get3A_809] {strides = array<i32>} : memref<672x64xf32, #tpu.memory_space<vmem>>, vector<16xf32>,
        %mul3A_811 = arith.mulf %mul3A_671, %get3A_810 : vector<16xf32>
        %add3A_812 = arith.addf %add3A_807, %mul3A_811 : vector<16xf32>
        %reduce_sum3A_813 = arith.constant true
        %reduce_sum3A_814 = vector.broadcast %reduce_sum3A_813 : i1 to vector<16xi1>
        %reduce_sum3A_815 = tpu.scan <sum>, %add3A_812 masked %reduce_sum3A_814 : vector<16xf32>, vector<16xi1> -> vector<16xf32>
        %reduce_sum3A_816 = vector.extract %reduce_sum3A_815[15] : f32 from vector<16xf32>
        %eq3A_817 = arith.constant 3 : i32
        %eq3A_818 = vector.broadcast %eq3A_817 : i32 to vector<16xi32>
        %eq3A_819 = arith.cmpi eq, %iota3A, %eq3A_818 : vector<16xi32>
        %broadcast_in_dim3A_820 = vector.broadcast %reduce_sum3A_816 : f32 to vector<16xf32>
        %select_n3A_821 = arith.select %eq3A_819, %broadcast_in_dim3A_820, %select_n3A_791 : vector<16xi1>, vector<16xf32>
        %add3A_822 = arith.constant 4 : i32
        %add3A_823 = arith.addi %mul3A_192, %add3A_822 : i32
        %get3A_824 = arith.index_cast %add3A_823 : i32 to index
        %get3A_825 = arith.constant 0 : index
        %get3A_826 = tpu.vector_load %arg12[%get3A_824, %get3A_825] {strides = array<i32>} : memref<672x64xf32, #tpu.memory_space<vmem>>, vector<16xf32>,
        %mul3A_827 = arith.mulf %mul3A_662, %get3A_826 : vector<16xf32>
        %get3A_828 = arith.index_cast %add3A_823 : i32 to index
        %get3A_829 = arith.constant 16 : index
        %get3A_830 = tpu.vector_load %arg12[%get3A_828, %get3A_829] {strides = array<i32>} : memref<672x64xf32, #tpu.memory_space<vmem>>, vector<16xf32>,
        %mul3A_831 = arith.mulf %mul3A_665, %get3A_830 : vector<16xf32>
        %add3A_832 = arith.addf %mul3A_827, %mul3A_831 : vector<16xf32>
        %get3A_833 = arith.index_cast %add3A_823 : i32 to index
        %get3A_834 = arith.constant 32 : index
        %get3A_835 = tpu.vector_load %arg12[%get3A_833, %get3A_834] {strides = array<i32>} : memref<672x64xf32, #tpu.memory_space<vmem>>, vector<16xf32>,
        %mul3A_836 = arith.mulf %mul3A_668, %get3A_835 : vector<16xf32>
        %add3A_837 = arith.addf %add3A_832, %mul3A_836 : vector<16xf32>
        %get3A_838 = arith.index_cast %add3A_823 : i32 to index
        %get3A_839 = arith.constant 48 : index
        %get3A_840 = tpu.vector_load %arg12[%get3A_838, %get3A_839] {strides = array<i32>} : memref<672x64xf32, #tpu.memory_space<vmem>>, vector<16xf32>,
        %mul3A_841 = arith.mulf %mul3A_671, %get3A_840 : vector<16xf32>
        %add3A_842 = arith.addf %add3A_837, %mul3A_841 : vector<16xf32>
        %reduce_sum3A_843 = arith.constant true
        %reduce_sum3A_844 = vector.broadcast %reduce_sum3A_843 : i1 to vector<16xi1>
        %reduce_sum3A_845 = tpu.scan <sum>, %add3A_842 masked %reduce_sum3A_844 : vector<16xf32>, vector<16xi1> -> vector<16xf32>
        %reduce_sum3A_846 = vector.extract %reduce_sum3A_845[15] : f32 from vector<16xf32>
        %eq3A_847 = arith.constant 4 : i32
        %eq3A_848 = vector.broadcast %eq3A_847 : i32 to vector<16xi32>
        %eq3A_849 = arith.cmpi eq, %iota3A, %eq3A_848 : vector<16xi32>
        %broadcast_in_dim3A_850 = vector.broadcast %reduce_sum3A_846 : f32 to vector<16xf32>
        %select_n3A_851 = arith.select %eq3A_849, %broadcast_in_dim3A_850, %select_n3A_821 : vector<16xi1>, vector<16xf32>
        %add3A_852 = arith.constant 5 : i32
        %add3A_853 = arith.addi %mul3A_192, %add3A_852 : i32
        %get3A_854 = arith.index_cast %add3A_853 : i32 to index
        %get3A_855 = arith.constant 0 : index
        %get3A_856 = tpu.vector_load %arg12[%get3A_854, %get3A_855] {strides = array<i32>} : memref<672x64xf32, #tpu.memory_space<vmem>>, vector<16xf32>,
        %mul3A_857 = arith.mulf %mul3A_662, %get3A_856 : vector<16xf32>
        %get3A_858 = arith.index_cast %add3A_853 : i32 to index
        %get3A_859 = arith.constant 16 : index
        %get3A_860 = tpu.vector_load %arg12[%get3A_858, %get3A_859] {strides = array<i32>} : memref<672x64xf32, #tpu.memory_space<vmem>>, vector<16xf32>,
        %mul3A_861 = arith.mulf %mul3A_665, %get3A_860 : vector<16xf32>
        %add3A_862 = arith.addf %mul3A_857, %mul3A_861 : vector<16xf32>
        %get3A_863 = arith.index_cast %add3A_853 : i32 to index
        %get3A_864 = arith.constant 32 : index
        %get3A_865 = tpu.vector_load %arg12[%get3A_863, %get3A_864] {strides = array<i32>} : memref<672x64xf32, #tpu.memory_space<vmem>>, vector<16xf32>,
        %mul3A_866 = arith.mulf %mul3A_668, %get3A_865 : vector<16xf32>
        %add3A_867 = arith.addf %add3A_862, %mul3A_866 : vector<16xf32>
        %get3A_868 = arith.index_cast %add3A_853 : i32 to index
        %get3A_869 = arith.constant 48 : index
        %get3A_870 = tpu.vector_load %arg12[%get3A_868, %get3A_869] {strides = array<i32>} : memref<672x64xf32, #tpu.memory_space<vmem>>, vector<16xf32>,
        %mul3A_871 = arith.mulf %mul3A_671, %get3A_870 : vector<16xf32>
        %add3A_872 = arith.addf %add3A_867, %mul3A_871 : vector<16xf32>
        %reduce_sum3A_873 = arith.constant true
        %reduce_sum3A_874 = vector.broadcast %reduce_sum3A_873 : i1 to vector<16xi1>
        %reduce_sum3A_875 = tpu.scan <sum>, %add3A_872 masked %reduce_sum3A_874 : vector<16xf32>, vector<16xi1> -> vector<16xf32>
        %reduce_sum3A_876 = vector.extract %reduce_sum3A_875[15] : f32 from vector<16xf32>
        %eq3A_877 = arith.constant 5 : i32
        %eq3A_878 = vector.broadcast %eq3A_877 : i32 to vector<16xi32>
        %eq3A_879 = arith.cmpi eq, %iota3A, %eq3A_878 : vector<16xi32>
        %broadcast_in_dim3A_880 = vector.broadcast %reduce_sum3A_876 : f32 to vector<16xf32>
        %select_n3A_881 = arith.select %eq3A_879, %broadcast_in_dim3A_880, %select_n3A_851 : vector<16xi1>, vector<16xf32>
        %add3A_882 = arith.constant 6 : i32
        %add3A_883 = arith.addi %mul3A_192, %add3A_882 : i32
        %get3A_884 = arith.index_cast %add3A_883 : i32 to index
        %get3A_885 = arith.constant 0 : index
        %get3A_886 = tpu.vector_load %arg12[%get3A_884, %get3A_885] {strides = array<i32>} : memref<672x64xf32, #tpu.memory_space<vmem>>, vector<16xf32>,
        %mul3A_887 = arith.mulf %mul3A_662, %get3A_886 : vector<16xf32>
        %get3A_888 = arith.index_cast %add3A_883 : i32 to index
        %get3A_889 = arith.constant 16 : index
        %get3A_890 = tpu.vector_load %arg12[%get3A_888, %get3A_889] {strides = array<i32>} : memref<672x64xf32, #tpu.memory_space<vmem>>, vector<16xf32>,
        %mul3A_891 = arith.mulf %mul3A_665, %get3A_890 : vector<16xf32>
        %add3A_892 = arith.addf %mul3A_887, %mul3A_891 : vector<16xf32>
        %get3A_893 = arith.index_cast %add3A_883 : i32 to index
        %get3A_894 = arith.constant 32 : index
        %get3A_895 = tpu.vector_load %arg12[%get3A_893, %get3A_894] {strides = array<i32>} : memref<672x64xf32, #tpu.memory_space<vmem>>, vector<16xf32>,
        %mul3A_896 = arith.mulf %mul3A_668, %get3A_895 : vector<16xf32>
        %add3A_897 = arith.addf %add3A_892, %mul3A_896 : vector<16xf32>
        %get3A_898 = arith.index_cast %add3A_883 : i32 to index
        %get3A_899 = arith.constant 48 : index
        %get3A_900 = tpu.vector_load %arg12[%get3A_898, %get3A_899] {strides = array<i32>} : memref<672x64xf32, #tpu.memory_space<vmem>>, vector<16xf32>,
        %mul3A_901 = arith.mulf %mul3A_671, %get3A_900 : vector<16xf32>
        %add3A_902 = arith.addf %add3A_897, %mul3A_901 : vector<16xf32>
        %reduce_sum3A_903 = arith.constant true
        %reduce_sum3A_904 = vector.broadcast %reduce_sum3A_903 : i1 to vector<16xi1>
        %reduce_sum3A_905 = tpu.scan <sum>, %add3A_902 masked %reduce_sum3A_904 : vector<16xf32>, vector<16xi1> -> vector<16xf32>
        %reduce_sum3A_906 = vector.extract %reduce_sum3A_905[15] : f32 from vector<16xf32>
        %eq3A_907 = arith.constant 6 : i32
        %eq3A_908 = vector.broadcast %eq3A_907 : i32 to vector<16xi32>
        %eq3A_909 = arith.cmpi eq, %iota3A, %eq3A_908 : vector<16xi32>
        %broadcast_in_dim3A_910 = vector.broadcast %reduce_sum3A_906 : f32 to vector<16xf32>
        %select_n3A_911 = arith.select %eq3A_909, %broadcast_in_dim3A_910, %select_n3A_881 : vector<16xi1>, vector<16xf32>
        %add3A_912 = arith.constant 7 : i32
        %add3A_913 = arith.addi %mul3A_192, %add3A_912 : i32
        %get3A_914 = arith.index_cast %add3A_913 : i32 to index
        %get3A_915 = arith.constant 0 : index
        %get3A_916 = tpu.vector_load %arg12[%get3A_914, %get3A_915] {strides = array<i32>} : memref<672x64xf32, #tpu.memory_space<vmem>>, vector<16xf32>,
        %mul3A_917 = arith.mulf %mul3A_662, %get3A_916 : vector<16xf32>
        %get3A_918 = arith.index_cast %add3A_913 : i32 to index
        %get3A_919 = arith.constant 16 : index
        %get3A_920 = tpu.vector_load %arg12[%get3A_918, %get3A_919] {strides = array<i32>} : memref<672x64xf32, #tpu.memory_space<vmem>>, vector<16xf32>,
        %mul3A_921 = arith.mulf %mul3A_665, %get3A_920 : vector<16xf32>
        %add3A_922 = arith.addf %mul3A_917, %mul3A_921 : vector<16xf32>
        %get3A_923 = arith.index_cast %add3A_913 : i32 to index
        %get3A_924 = arith.constant 32 : index
        %get3A_925 = tpu.vector_load %arg12[%get3A_923, %get3A_924] {strides = array<i32>} : memref<672x64xf32, #tpu.memory_space<vmem>>, vector<16xf32>,
        %mul3A_926 = arith.mulf %mul3A_668, %get3A_925 : vector<16xf32>
        %add3A_927 = arith.addf %add3A_922, %mul3A_926 : vector<16xf32>
        %get3A_928 = arith.index_cast %add3A_913 : i32 to index
        %get3A_929 = arith.constant 48 : index
        %get3A_930 = tpu.vector_load %arg12[%get3A_928, %get3A_929] {strides = array<i32>} : memref<672x64xf32, #tpu.memory_space<vmem>>, vector<16xf32>,
        %mul3A_931 = arith.mulf %mul3A_671, %get3A_930 : vector<16xf32>
        %add3A_932 = arith.addf %add3A_927, %mul3A_931 : vector<16xf32>
        %reduce_sum3A_933 = arith.constant true
        %reduce_sum3A_934 = vector.broadcast %reduce_sum3A_933 : i1 to vector<16xi1>
        %reduce_sum3A_935 = tpu.scan <sum>, %add3A_932 masked %reduce_sum3A_934 : vector<16xf32>, vector<16xi1> -> vector<16xf32>
        %reduce_sum3A_936 = vector.extract %reduce_sum3A_935[15] : f32 from vector<16xf32>
        %eq3A_937 = arith.constant 7 : i32
        %eq3A_938 = vector.broadcast %eq3A_937 : i32 to vector<16xi32>
        %eq3A_939 = arith.cmpi eq, %iota3A, %eq3A_938 : vector<16xi32>
        %broadcast_in_dim3A_940 = vector.broadcast %reduce_sum3A_936 : f32 to vector<16xf32>
        %select_n3A_941 = arith.select %eq3A_939, %broadcast_in_dim3A_940, %select_n3A_911 : vector<16xi1>, vector<16xf32>
        %add3A_942 = arith.constant 8 : i32
        %add3A_943 = arith.addi %mul3A_192, %add3A_942 : i32
        %get3A_944 = arith.index_cast %add3A_943 : i32 to index
        %get3A_945 = arith.constant 0 : index
        %get3A_946 = tpu.vector_load %arg12[%get3A_944, %get3A_945] {strides = array<i32>} : memref<672x64xf32, #tpu.memory_space<vmem>>, vector<16xf32>,
        %mul3A_947 = arith.mulf %mul3A_662, %get3A_946 : vector<16xf32>
        %get3A_948 = arith.index_cast %add3A_943 : i32 to index
        %get3A_949 = arith.constant 16 : index
        %get3A_950 = tpu.vector_load %arg12[%get3A_948, %get3A_949] {strides = array<i32>} : memref<672x64xf32, #tpu.memory_space<vmem>>, vector<16xf32>,
        %mul3A_951 = arith.mulf %mul3A_665, %get3A_950 : vector<16xf32>
        %add3A_952 = arith.addf %mul3A_947, %mul3A_951 : vector<16xf32>
        %get3A_953 = arith.index_cast %add3A_943 : i32 to index
        %get3A_954 = arith.constant 32 : index
        %get3A_955 = tpu.vector_load %arg12[%get3A_953, %get3A_954] {strides = array<i32>} : memref<672x64xf32, #tpu.memory_space<vmem>>, vector<16xf32>,
        %mul3A_956 = arith.mulf %mul3A_668, %get3A_955 : vector<16xf32>
        %add3A_957 = arith.addf %add3A_952, %mul3A_956 : vector<16xf32>
        %get3A_958 = arith.index_cast %add3A_943 : i32 to index
        %get3A_959 = arith.constant 48 : index
        %get3A_960 = tpu.vector_load %arg12[%get3A_958, %get3A_959] {strides = array<i32>} : memref<672x64xf32, #tpu.memory_space<vmem>>, vector<16xf32>,
        %mul3A_961 = arith.mulf %mul3A_671, %get3A_960 : vector<16xf32>
        %add3A_962 = arith.addf %add3A_957, %mul3A_961 : vector<16xf32>
        %reduce_sum3A_963 = arith.constant true
        %reduce_sum3A_964 = vector.broadcast %reduce_sum3A_963 : i1 to vector<16xi1>
        %reduce_sum3A_965 = tpu.scan <sum>, %add3A_962 masked %reduce_sum3A_964 : vector<16xf32>, vector<16xi1> -> vector<16xf32>
        %reduce_sum3A_966 = vector.extract %reduce_sum3A_965[15] : f32 from vector<16xf32>
        %eq3A_967 = arith.constant 8 : i32
        %eq3A_968 = vector.broadcast %eq3A_967 : i32 to vector<16xi32>
        %eq3A_969 = arith.cmpi eq, %iota3A, %eq3A_968 : vector<16xi32>
        %broadcast_in_dim3A_970 = vector.broadcast %reduce_sum3A_966 : f32 to vector<16xf32>
        %select_n3A_971 = arith.select %eq3A_969, %broadcast_in_dim3A_970, %select_n3A_941 : vector<16xi1>, vector<16xf32>
        %add3A_972 = arith.constant 9 : i32
        %add3A_973 = arith.addi %mul3A_192, %add3A_972 : i32
        %get3A_974 = arith.index_cast %add3A_973 : i32 to index
        %get3A_975 = arith.constant 0 : index
        %get3A_976 = tpu.vector_load %arg12[%get3A_974, %get3A_975] {strides = array<i32>} : memref<672x64xf32, #tpu.memory_space<vmem>>, vector<16xf32>,
        %mul3A_977 = arith.mulf %mul3A_662, %get3A_976 : vector<16xf32>
        %get3A_978 = arith.index_cast %add3A_973 : i32 to index
        %get3A_979 = arith.constant 16 : index
        %get3A_980 = tpu.vector_load %arg12[%get3A_978, %get3A_979] {strides = array<i32>} : memref<672x64xf32, #tpu.memory_space<vmem>>, vector<16xf32>,
        %mul3A_981 = arith.mulf %mul3A_665, %get3A_980 : vector<16xf32>
        %add3A_982 = arith.addf %mul3A_977, %mul3A_981 : vector<16xf32>
        %get3A_983 = arith.index_cast %add3A_973 : i32 to index
        %get3A_984 = arith.constant 32 : index
        %get3A_985 = tpu.vector_load %arg12[%get3A_983, %get3A_984] {strides = array<i32>} : memref<672x64xf32, #tpu.memory_space<vmem>>, vector<16xf32>,
        %mul3A_986 = arith.mulf %mul3A_668, %get3A_985 : vector<16xf32>
        %add3A_987 = arith.addf %add3A_982, %mul3A_986 : vector<16xf32>
        %get3A_988 = arith.index_cast %add3A_973 : i32 to index
        %get3A_989 = arith.constant 48 : index
        %get3A_990 = tpu.vector_load %arg12[%get3A_988, %get3A_989] {strides = array<i32>} : memref<672x64xf32, #tpu.memory_space<vmem>>, vector<16xf32>,
        %mul3A_991 = arith.mulf %mul3A_671, %get3A_990 : vector<16xf32>
        %add3A_992 = arith.addf %add3A_987, %mul3A_991 : vector<16xf32>
        %reduce_sum3A_993 = arith.constant true
        %reduce_sum3A_994 = vector.broadcast %reduce_sum3A_993 : i1 to vector<16xi1>
        %reduce_sum3A_995 = tpu.scan <sum>, %add3A_992 masked %reduce_sum3A_994 : vector<16xf32>, vector<16xi1> -> vector<16xf32>
        %reduce_sum3A_996 = vector.extract %reduce_sum3A_995[15] : f32 from vector<16xf32>
        %eq3A_997 = arith.constant 9 : i32
        %eq3A_998 = vector.broadcast %eq3A_997 : i32 to vector<16xi32>
        %eq3A_999 = arith.cmpi eq, %iota3A, %eq3A_998 : vector<16xi32>
        %broadcast_in_dim3A_1000 = vector.broadcast %reduce_sum3A_996 : f32 to vector<16xf32>
        %select_n3A_1001 = arith.select %eq3A_999, %broadcast_in_dim3A_1000, %select_n3A_971 : vector<16xi1>, vector<16xf32>
        %add3A_1002 = arith.constant 10 : i32
        %add3A_1003 = arith.addi %mul3A_192, %add3A_1002 : i32
        %get3A_1004 = arith.index_cast %add3A_1003 : i32 to index
        %get3A_1005 = arith.constant 0 : index
        %get3A_1006 = tpu.vector_load %arg12[%get3A_1004, %get3A_1005] {strides = array<i32>} : memref<672x64xf32, #tpu.memory_space<vmem>>, vector<16xf32>,
        %mul3A_1007 = arith.mulf %mul3A_662, %get3A_1006 : vector<16xf32>
        %get3A_1008 = arith.index_cast %add3A_1003 : i32 to index
        %get3A_1009 = arith.constant 16 : index
        %get3A_1010 = tpu.vector_load %arg12[%get3A_1008, %get3A_1009] {strides = array<i32>} : memref<672x64xf32, #tpu.memory_space<vmem>>, vector<16xf32>,
        %mul3A_1011 = arith.mulf %mul3A_665, %get3A_1010 : vector<16xf32>
        %add3A_1012 = arith.addf %mul3A_1007, %mul3A_1011 : vector<16xf32>
        %get3A_1013 = arith.index_cast %add3A_1003 : i32 to index
        %get3A_1014 = arith.constant 32 : index
        %get3A_1015 = tpu.vector_load %arg12[%get3A_1013, %get3A_1014] {strides = array<i32>} : memref<672x64xf32, #tpu.memory_space<vmem>>, vector<16xf32>,
        %mul3A_1016 = arith.mulf %mul3A_668, %get3A_1015 : vector<16xf32>
        %add3A_1017 = arith.addf %add3A_1012, %mul3A_1016 : vector<16xf32>
        %get3A_1018 = arith.index_cast %add3A_1003 : i32 to index
        %get3A_1019 = arith.constant 48 : index
        %get3A_1020 = tpu.vector_load %arg12[%get3A_1018, %get3A_1019] {strides = array<i32>} : memref<672x64xf32, #tpu.memory_space<vmem>>, vector<16xf32>,
        %mul3A_1021 = arith.mulf %mul3A_671, %get3A_1020 : vector<16xf32>
        %add3A_1022 = arith.addf %add3A_1017, %mul3A_1021 : vector<16xf32>
        %reduce_sum3A_1023 = arith.constant true
        %reduce_sum3A_1024 = vector.broadcast %reduce_sum3A_1023 : i1 to vector<16xi1>
        %reduce_sum3A_1025 = tpu.scan <sum>, %add3A_1022 masked %reduce_sum3A_1024 : vector<16xf32>, vector<16xi1> -> vector<16xf32>
        %reduce_sum3A_1026 = vector.extract %reduce_sum3A_1025[15] : f32 from vector<16xf32>
        %eq3A_1027 = arith.constant 10 : i32
        %eq3A_1028 = vector.broadcast %eq3A_1027 : i32 to vector<16xi32>
        %eq3A_1029 = arith.cmpi eq, %iota3A, %eq3A_1028 : vector<16xi32>
        %broadcast_in_dim3A_1030 = vector.broadcast %reduce_sum3A_1026 : f32 to vector<16xf32>
        %select_n3A_1031 = arith.select %eq3A_1029, %broadcast_in_dim3A_1030, %select_n3A_1001 : vector<16xi1>, vector<16xf32>
        %add3A_1032 = arith.constant 11 : i32
        %add3A_1033 = arith.addi %mul3A_192, %add3A_1032 : i32
        %get3A_1034 = arith.index_cast %add3A_1033 : i32 to index
        %get3A_1035 = arith.constant 0 : index
        %get3A_1036 = tpu.vector_load %arg12[%get3A_1034, %get3A_1035] {strides = array<i32>} : memref<672x64xf32, #tpu.memory_space<vmem>>, vector<16xf32>,
        %mul3A_1037 = arith.mulf %mul3A_662, %get3A_1036 : vector<16xf32>
        %get3A_1038 = arith.index_cast %add3A_1033 : i32 to index
        %get3A_1039 = arith.constant 16 : index
        %get3A_1040 = tpu.vector_load %arg12[%get3A_1038, %get3A_1039] {strides = array<i32>} : memref<672x64xf32, #tpu.memory_space<vmem>>, vector<16xf32>,
        %mul3A_1041 = arith.mulf %mul3A_665, %get3A_1040 : vector<16xf32>
        %add3A_1042 = arith.addf %mul3A_1037, %mul3A_1041 : vector<16xf32>
        %get3A_1043 = arith.index_cast %add3A_1033 : i32 to index
        %get3A_1044 = arith.constant 32 : index
        %get3A_1045 = tpu.vector_load %arg12[%get3A_1043, %get3A_1044] {strides = array<i32>} : memref<672x64xf32, #tpu.memory_space<vmem>>, vector<16xf32>,
        %mul3A_1046 = arith.mulf %mul3A_668, %get3A_1045 : vector<16xf32>
        %add3A_1047 = arith.addf %add3A_1042, %mul3A_1046 : vector<16xf32>
        %get3A_1048 = arith.index_cast %add3A_1033 : i32 to index
        %get3A_1049 = arith.constant 48 : index
        %get3A_1050 = tpu.vector_load %arg12[%get3A_1048, %get3A_1049] {strides = array<i32>} : memref<672x64xf32, #tpu.memory_space<vmem>>, vector<16xf32>,
        %mul3A_1051 = arith.mulf %mul3A_671, %get3A_1050 : vector<16xf32>
        %add3A_1052 = arith.addf %add3A_1047, %mul3A_1051 : vector<16xf32>
        %reduce_sum3A_1053 = arith.constant true
        %reduce_sum3A_1054 = vector.broadcast %reduce_sum3A_1053 : i1 to vector<16xi1>
        %reduce_sum3A_1055 = tpu.scan <sum>, %add3A_1052 masked %reduce_sum3A_1054 : vector<16xf32>, vector<16xi1> -> vector<16xf32>
        %reduce_sum3A_1056 = vector.extract %reduce_sum3A_1055[15] : f32 from vector<16xf32>
        %eq3A_1057 = arith.constant 11 : i32
        %eq3A_1058 = vector.broadcast %eq3A_1057 : i32 to vector<16xi32>
        %eq3A_1059 = arith.cmpi eq, %iota3A, %eq3A_1058 : vector<16xi32>
        %broadcast_in_dim3A_1060 = vector.broadcast %reduce_sum3A_1056 : f32 to vector<16xf32>
        %select_n3A_1061 = arith.select %eq3A_1059, %broadcast_in_dim3A_1060, %select_n3A_1031 : vector<16xi1>, vector<16xf32>
        %add3A_1062 = arith.constant 12 : i32
        %add3A_1063 = arith.addi %mul3A_192, %add3A_1062 : i32
        %get3A_1064 = arith.index_cast %add3A_1063 : i32 to index
        %get3A_1065 = arith.constant 0 : index
        %get3A_1066 = tpu.vector_load %arg12[%get3A_1064, %get3A_1065] {strides = array<i32>} : memref<672x64xf32, #tpu.memory_space<vmem>>, vector<16xf32>,
        %mul3A_1067 = arith.mulf %mul3A_662, %get3A_1066 : vector<16xf32>
        %get3A_1068 = arith.index_cast %add3A_1063 : i32 to index
        %get3A_1069 = arith.constant 16 : index
        %get3A_1070 = tpu.vector_load %arg12[%get3A_1068, %get3A_1069] {strides = array<i32>} : memref<672x64xf32, #tpu.memory_space<vmem>>, vector<16xf32>,
        %mul3A_1071 = arith.mulf %mul3A_665, %get3A_1070 : vector<16xf32>
        %add3A_1072 = arith.addf %mul3A_1067, %mul3A_1071 : vector<16xf32>
        %get3A_1073 = arith.index_cast %add3A_1063 : i32 to index
        %get3A_1074 = arith.constant 32 : index
        %get3A_1075 = tpu.vector_load %arg12[%get3A_1073, %get3A_1074] {strides = array<i32>} : memref<672x64xf32, #tpu.memory_space<vmem>>, vector<16xf32>,
        %mul3A_1076 = arith.mulf %mul3A_668, %get3A_1075 : vector<16xf32>
        %add3A_1077 = arith.addf %add3A_1072, %mul3A_1076 : vector<16xf32>
        %get3A_1078 = arith.index_cast %add3A_1063 : i32 to index
        %get3A_1079 = arith.constant 48 : index
        %get3A_1080 = tpu.vector_load %arg12[%get3A_1078, %get3A_1079] {strides = array<i32>} : memref<672x64xf32, #tpu.memory_space<vmem>>, vector<16xf32>,
        %mul3A_1081 = arith.mulf %mul3A_671, %get3A_1080 : vector<16xf32>
        %add3A_1082 = arith.addf %add3A_1077, %mul3A_1081 : vector<16xf32>
        %reduce_sum3A_1083 = arith.constant true
        %reduce_sum3A_1084 = vector.broadcast %reduce_sum3A_1083 : i1 to vector<16xi1>
        %reduce_sum3A_1085 = tpu.scan <sum>, %add3A_1082 masked %reduce_sum3A_1084 : vector<16xf32>, vector<16xi1> -> vector<16xf32>
        %reduce_sum3A_1086 = vector.extract %reduce_sum3A_1085[15] : f32 from vector<16xf32>
        %eq3A_1087 = arith.constant 12 : i32
        %eq3A_1088 = vector.broadcast %eq3A_1087 : i32 to vector<16xi32>
        %eq3A_1089 = arith.cmpi eq, %iota3A, %eq3A_1088 : vector<16xi32>
        %broadcast_in_dim3A_1090 = vector.broadcast %reduce_sum3A_1086 : f32 to vector<16xf32>
        %select_n3A_1091 = arith.select %eq3A_1089, %broadcast_in_dim3A_1090, %select_n3A_1061 : vector<16xi1>, vector<16xf32>
        %add3A_1092 = arith.constant 13 : i32
        %add3A_1093 = arith.addi %mul3A_192, %add3A_1092 : i32
        %get3A_1094 = arith.index_cast %add3A_1093 : i32 to index
        %get3A_1095 = arith.constant 0 : index
        %get3A_1096 = tpu.vector_load %arg12[%get3A_1094, %get3A_1095] {strides = array<i32>} : memref<672x64xf32, #tpu.memory_space<vmem>>, vector<16xf32>,
        %mul3A_1097 = arith.mulf %mul3A_662, %get3A_1096 : vector<16xf32>
        %get3A_1098 = arith.index_cast %add3A_1093 : i32 to index
        %get3A_1099 = arith.constant 16 : index
        %get3A_1100 = tpu.vector_load %arg12[%get3A_1098, %get3A_1099] {strides = array<i32>} : memref<672x64xf32, #tpu.memory_space<vmem>>, vector<16xf32>,
        %mul3A_1101 = arith.mulf %mul3A_665, %get3A_1100 : vector<16xf32>
        %add3A_1102 = arith.addf %mul3A_1097, %mul3A_1101 : vector<16xf32>
        %get3A_1103 = arith.index_cast %add3A_1093 : i32 to index
        %get3A_1104 = arith.constant 32 : index
        %get3A_1105 = tpu.vector_load %arg12[%get3A_1103, %get3A_1104] {strides = array<i32>} : memref<672x64xf32, #tpu.memory_space<vmem>>, vector<16xf32>,
        %mul3A_1106 = arith.mulf %mul3A_668, %get3A_1105 : vector<16xf32>
        %add3A_1107 = arith.addf %add3A_1102, %mul3A_1106 : vector<16xf32>
        %get3A_1108 = arith.index_cast %add3A_1093 : i32 to index
        %get3A_1109 = arith.constant 48 : index
        %get3A_1110 = tpu.vector_load %arg12[%get3A_1108, %get3A_1109] {strides = array<i32>} : memref<672x64xf32, #tpu.memory_space<vmem>>, vector<16xf32>,
        %mul3A_1111 = arith.mulf %mul3A_671, %get3A_1110 : vector<16xf32>
        %add3A_1112 = arith.addf %add3A_1107, %mul3A_1111 : vector<16xf32>
        %reduce_sum3A_1113 = arith.constant true
        %reduce_sum3A_1114 = vector.broadcast %reduce_sum3A_1113 : i1 to vector<16xi1>
        %reduce_sum3A_1115 = tpu.scan <sum>, %add3A_1112 masked %reduce_sum3A_1114 : vector<16xf32>, vector<16xi1> -> vector<16xf32>
        %reduce_sum3A_1116 = vector.extract %reduce_sum3A_1115[15] : f32 from vector<16xf32>
        %eq3A_1117 = arith.constant 13 : i32
        %eq3A_1118 = vector.broadcast %eq3A_1117 : i32 to vector<16xi32>
        %eq3A_1119 = arith.cmpi eq, %iota3A, %eq3A_1118 : vector<16xi32>
        %broadcast_in_dim3A_1120 = vector.broadcast %reduce_sum3A_1116 : f32 to vector<16xf32>
        %select_n3A_1121 = arith.select %eq3A_1119, %broadcast_in_dim3A_1120, %select_n3A_1091 : vector<16xi1>, vector<16xf32>
        %add3A_1122 = arith.constant 14 : i32
        %add3A_1123 = arith.addi %mul3A_192, %add3A_1122 : i32
        %get3A_1124 = arith.index_cast %add3A_1123 : i32 to index
        %get3A_1125 = arith.constant 0 : index
        %get3A_1126 = tpu.vector_load %arg12[%get3A_1124, %get3A_1125] {strides = array<i32>} : memref<672x64xf32, #tpu.memory_space<vmem>>, vector<16xf32>,
        %mul3A_1127 = arith.mulf %mul3A_662, %get3A_1126 : vector<16xf32>
        %get3A_1128 = arith.index_cast %add3A_1123 : i32 to index
        %get3A_1129 = arith.constant 16 : index
        %get3A_1130 = tpu.vector_load %arg12[%get3A_1128, %get3A_1129] {strides = array<i32>} : memref<672x64xf32, #tpu.memory_space<vmem>>, vector<16xf32>,
        %mul3A_1131 = arith.mulf %mul3A_665, %get3A_1130 : vector<16xf32>
        %add3A_1132 = arith.addf %mul3A_1127, %mul3A_1131 : vector<16xf32>
        %get3A_1133 = arith.index_cast %add3A_1123 : i32 to index
        %get3A_1134 = arith.constant 32 : index
        %get3A_1135 = tpu.vector_load %arg12[%get3A_1133, %get3A_1134] {strides = array<i32>} : memref<672x64xf32, #tpu.memory_space<vmem>>, vector<16xf32>,
        %mul3A_1136 = arith.mulf %mul3A_668, %get3A_1135 : vector<16xf32>
        %add3A_1137 = arith.addf %add3A_1132, %mul3A_1136 : vector<16xf32>
        %get3A_1138 = arith.index_cast %add3A_1123 : i32 to index
        %get3A_1139 = arith.constant 48 : index
        %get3A_1140 = tpu.vector_load %arg12[%get3A_1138, %get3A_1139] {strides = array<i32>} : memref<672x64xf32, #tpu.memory_space<vmem>>, vector<16xf32>,
        %mul3A_1141 = arith.mulf %mul3A_671, %get3A_1140 : vector<16xf32>
        %add3A_1142 = arith.addf %add3A_1137, %mul3A_1141 : vector<16xf32>
        %reduce_sum3A_1143 = arith.constant true
        %reduce_sum3A_1144 = vector.broadcast %reduce_sum3A_1143 : i1 to vector<16xi1>
        %reduce_sum3A_1145 = tpu.scan <sum>, %add3A_1142 masked %reduce_sum3A_1144 : vector<16xf32>, vector<16xi1> -> vector<16xf32>
        %reduce_sum3A_1146 = vector.extract %reduce_sum3A_1145[15] : f32 from vector<16xf32>
        %eq3A_1147 = arith.constant 14 : i32
        %eq3A_1148 = vector.broadcast %eq3A_1147 : i32 to vector<16xi32>
        %eq3A_1149 = arith.cmpi eq, %iota3A, %eq3A_1148 : vector<16xi32>
        %broadcast_in_dim3A_1150 = vector.broadcast %reduce_sum3A_1146 : f32 to vector<16xf32>
        %select_n3A_1151 = arith.select %eq3A_1149, %broadcast_in_dim3A_1150, %select_n3A_1121 : vector<16xi1>, vector<16xf32>
        %add3A_1152 = arith.constant 15 : i32
        %add3A_1153 = arith.addi %mul3A_192, %add3A_1152 : i32
        %get3A_1154 = arith.index_cast %add3A_1153 : i32 to index
        %get3A_1155 = arith.constant 0 : index
        %get3A_1156 = tpu.vector_load %arg12[%get3A_1154, %get3A_1155] {strides = array<i32>} : memref<672x64xf32, #tpu.memory_space<vmem>>, vector<16xf32>,
        %mul3A_1157 = arith.mulf %mul3A_662, %get3A_1156 : vector<16xf32>
        %get3A_1158 = arith.index_cast %add3A_1153 : i32 to index
        %get3A_1159 = arith.constant 16 : index
        %get3A_1160 = tpu.vector_load %arg12[%get3A_1158, %get3A_1159] {strides = array<i32>} : memref<672x64xf32, #tpu.memory_space<vmem>>, vector<16xf32>,
        %mul3A_1161 = arith.mulf %mul3A_665, %get3A_1160 : vector<16xf32>
        %add3A_1162 = arith.addf %mul3A_1157, %mul3A_1161 : vector<16xf32>
        %get3A_1163 = arith.index_cast %add3A_1153 : i32 to index
        %get3A_1164 = arith.constant 32 : index
        %get3A_1165 = tpu.vector_load %arg12[%get3A_1163, %get3A_1164] {strides = array<i32>} : memref<672x64xf32, #tpu.memory_space<vmem>>, vector<16xf32>,
        %mul3A_1166 = arith.mulf %mul3A_668, %get3A_1165 : vector<16xf32>
        %add3A_1167 = arith.addf %add3A_1162, %mul3A_1166 : vector<16xf32>
        %get3A_1168 = arith.index_cast %add3A_1153 : i32 to index
        %get3A_1169 = arith.constant 48 : index
        %get3A_1170 = tpu.vector_load %arg12[%get3A_1168, %get3A_1169] {strides = array<i32>} : memref<672x64xf32, #tpu.memory_space<vmem>>, vector<16xf32>,
        %mul3A_1171 = arith.mulf %mul3A_671, %get3A_1170 : vector<16xf32>
        %add3A_1172 = arith.addf %add3A_1167, %mul3A_1171 : vector<16xf32>
        %reduce_sum3A_1173 = arith.constant true
        %reduce_sum3A_1174 = vector.broadcast %reduce_sum3A_1173 : i1 to vector<16xi1>
        %reduce_sum3A_1175 = tpu.scan <sum>, %add3A_1172 masked %reduce_sum3A_1174 : vector<16xf32>, vector<16xi1> -> vector<16xf32>
        %reduce_sum3A_1176 = vector.extract %reduce_sum3A_1175[15] : f32 from vector<16xf32>
        %eq3A_1177 = arith.constant 15 : i32
        %eq3A_1178 = vector.broadcast %eq3A_1177 : i32 to vector<16xi32>
        %eq3A_1179 = arith.cmpi eq, %iota3A, %eq3A_1178 : vector<16xi32>
        %broadcast_in_dim3A_1180 = vector.broadcast %reduce_sum3A_1176 : f32 to vector<16xf32>
        %select_n3A_1181 = arith.select %eq3A_1179, %broadcast_in_dim3A_1180, %select_n3A_1151 : vector<16xi1>, vector<16xf32>
        %add3A_1182 = arith.constant 16 : i32
        %add3A_1183 = arith.addi %mul3A_192, %add3A_1182 : i32
        %get3A_1184 = arith.index_cast %add3A_1183 : i32 to index
        %get3A_1185 = arith.constant 0 : index
        %get3A_1186 = tpu.vector_load %arg12[%get3A_1184, %get3A_1185] {strides = array<i32>} : memref<672x64xf32, #tpu.memory_space<vmem>>, vector<16xf32>,
        %mul3A_1187 = arith.mulf %mul3A_662, %get3A_1186 : vector<16xf32>
        %get3A_1188 = arith.index_cast %add3A_1183 : i32 to index
        %get3A_1189 = arith.constant 16 : index
        %get3A_1190 = tpu.vector_load %arg12[%get3A_1188, %get3A_1189] {strides = array<i32>} : memref<672x64xf32, #tpu.memory_space<vmem>>, vector<16xf32>,
        %mul3A_1191 = arith.mulf %mul3A_665, %get3A_1190 : vector<16xf32>
        %add3A_1192 = arith.addf %mul3A_1187, %mul3A_1191 : vector<16xf32>
        %get3A_1193 = arith.index_cast %add3A_1183 : i32 to index
        %get3A_1194 = arith.constant 32 : index
        %get3A_1195 = tpu.vector_load %arg12[%get3A_1193, %get3A_1194] {strides = array<i32>} : memref<672x64xf32, #tpu.memory_space<vmem>>, vector<16xf32>,
        %mul3A_1196 = arith.mulf %mul3A_668, %get3A_1195 : vector<16xf32>
        %add3A_1197 = arith.addf %add3A_1192, %mul3A_1196 : vector<16xf32>
        %get3A_1198 = arith.index_cast %add3A_1183 : i32 to index
        %get3A_1199 = arith.constant 48 : index
        %get3A_1200 = tpu.vector_load %arg12[%get3A_1198, %get3A_1199] {strides = array<i32>} : memref<672x64xf32, #tpu.memory_space<vmem>>, vector<16xf32>,
        %mul3A_1201 = arith.mulf %mul3A_671, %get3A_1200 : vector<16xf32>
        %add3A_1202 = arith.addf %add3A_1197, %mul3A_1201 : vector<16xf32>
        %reduce_sum3A_1203 = arith.constant true
        %reduce_sum3A_1204 = vector.broadcast %reduce_sum3A_1203 : i1 to vector<16xi1>
        %reduce_sum3A_1205 = tpu.scan <sum>, %add3A_1202 masked %reduce_sum3A_1204 : vector<16xf32>, vector<16xi1> -> vector<16xf32>
        %reduce_sum3A_1206 = vector.extract %reduce_sum3A_1205[15] : f32 from vector<16xf32>
        %eq3A_1207 = arith.constant 0 : i32
        %eq3A_1208 = vector.broadcast %eq3A_1207 : i32 to vector<16xi32>
        %eq3A_1209 = arith.cmpi eq, %iota3A, %eq3A_1208 : vector<16xi32>
        %broadcast_in_dim3A_1210 = vector.broadcast %reduce_sum3A_1206 : f32 to vector<16xf32>
        %select_n3A_1211 = arith.select %eq3A_1209, %broadcast_in_dim3A_1210, %select_n3A : vector<16xi1>, vector<16xf32>
        %add3A_1212 = arith.constant 17 : i32
        %add3A_1213 = arith.addi %mul3A_192, %add3A_1212 : i32
        %get3A_1214 = arith.index_cast %add3A_1213 : i32 to index
        %get3A_1215 = arith.constant 0 : index
        %get3A_1216 = tpu.vector_load %arg12[%get3A_1214, %get3A_1215] {strides = array<i32>} : memref<672x64xf32, #tpu.memory_space<vmem>>, vector<16xf32>,
        %mul3A_1217 = arith.mulf %mul3A_662, %get3A_1216 : vector<16xf32>
        %get3A_1218 = arith.index_cast %add3A_1213 : i32 to index
        %get3A_1219 = arith.constant 16 : index
        %get3A_1220 = tpu.vector_load %arg12[%get3A_1218, %get3A_1219] {strides = array<i32>} : memref<672x64xf32, #tpu.memory_space<vmem>>, vector<16xf32>,
        %mul3A_1221 = arith.mulf %mul3A_665, %get3A_1220 : vector<16xf32>
        %add3A_1222 = arith.addf %mul3A_1217, %mul3A_1221 : vector<16xf32>
        %get3A_1223 = arith.index_cast %add3A_1213 : i32 to index
        %get3A_1224 = arith.constant 32 : index
        %get3A_1225 = tpu.vector_load %arg12[%get3A_1223, %get3A_1224] {strides = array<i32>} : memref<672x64xf32, #tpu.memory_space<vmem>>, vector<16xf32>,
        %mul3A_1226 = arith.mulf %mul3A_668, %get3A_1225 : vector<16xf32>
        %add3A_1227 = arith.addf %add3A_1222, %mul3A_1226 : vector<16xf32>
        %get3A_1228 = arith.index_cast %add3A_1213 : i32 to index
        %get3A_1229 = arith.constant 48 : index
        %get3A_1230 = tpu.vector_load %arg12[%get3A_1228, %get3A_1229] {strides = array<i32>} : memref<672x64xf32, #tpu.memory_space<vmem>>, vector<16xf32>,
        %mul3A_1231 = arith.mulf %mul3A_671, %get3A_1230 : vector<16xf32>
        %add3A_1232 = arith.addf %add3A_1227, %mul3A_1231 : vector<16xf32>
        %reduce_sum3A_1233 = arith.constant true
        %reduce_sum3A_1234 = vector.broadcast %reduce_sum3A_1233 : i1 to vector<16xi1>
        %reduce_sum3A_1235 = tpu.scan <sum>, %add3A_1232 masked %reduce_sum3A_1234 : vector<16xf32>, vector<16xi1> -> vector<16xf32>
        %reduce_sum3A_1236 = vector.extract %reduce_sum3A_1235[15] : f32 from vector<16xf32>
        %eq3A_1237 = arith.constant 1 : i32
        %eq3A_1238 = vector.broadcast %eq3A_1237 : i32 to vector<16xi32>
        %eq3A_1239 = arith.cmpi eq, %iota3A, %eq3A_1238 : vector<16xi32>
        %broadcast_in_dim3A_1240 = vector.broadcast %reduce_sum3A_1236 : f32 to vector<16xf32>
        %select_n3A_1241 = arith.select %eq3A_1239, %broadcast_in_dim3A_1240, %select_n3A_1211 : vector<16xi1>, vector<16xf32>
        %add3A_1242 = arith.constant 18 : i32
        %add3A_1243 = arith.addi %mul3A_192, %add3A_1242 : i32
        %get3A_1244 = arith.index_cast %add3A_1243 : i32 to index
        %get3A_1245 = arith.constant 0 : index
        %get3A_1246 = tpu.vector_load %arg12[%get3A_1244, %get3A_1245] {strides = array<i32>} : memref<672x64xf32, #tpu.memory_space<vmem>>, vector<16xf32>,
        %mul3A_1247 = arith.mulf %mul3A_662, %get3A_1246 : vector<16xf32>
        %get3A_1248 = arith.index_cast %add3A_1243 : i32 to index
        %get3A_1249 = arith.constant 16 : index
        %get3A_1250 = tpu.vector_load %arg12[%get3A_1248, %get3A_1249] {strides = array<i32>} : memref<672x64xf32, #tpu.memory_space<vmem>>, vector<16xf32>,
        %mul3A_1251 = arith.mulf %mul3A_665, %get3A_1250 : vector<16xf32>
        %add3A_1252 = arith.addf %mul3A_1247, %mul3A_1251 : vector<16xf32>
        %get3A_1253 = arith.index_cast %add3A_1243 : i32 to index
        %get3A_1254 = arith.constant 32 : index
        %get3A_1255 = tpu.vector_load %arg12[%get3A_1253, %get3A_1254] {strides = array<i32>} : memref<672x64xf32, #tpu.memory_space<vmem>>, vector<16xf32>,
        %mul3A_1256 = arith.mulf %mul3A_668, %get3A_1255 : vector<16xf32>
        %add3A_1257 = arith.addf %add3A_1252, %mul3A_1256 : vector<16xf32>
        %get3A_1258 = arith.index_cast %add3A_1243 : i32 to index
        %get3A_1259 = arith.constant 48 : index
        %get3A_1260 = tpu.vector_load %arg12[%get3A_1258, %get3A_1259] {strides = array<i32>} : memref<672x64xf32, #tpu.memory_space<vmem>>, vector<16xf32>,
        %mul3A_1261 = arith.mulf %mul3A_671, %get3A_1260 : vector<16xf32>
        %add3A_1262 = arith.addf %add3A_1257, %mul3A_1261 : vector<16xf32>
        %reduce_sum3A_1263 = arith.constant true
        %reduce_sum3A_1264 = vector.broadcast %reduce_sum3A_1263 : i1 to vector<16xi1>
        %reduce_sum3A_1265 = tpu.scan <sum>, %add3A_1262 masked %reduce_sum3A_1264 : vector<16xf32>, vector<16xi1> -> vector<16xf32>
        %reduce_sum3A_1266 = vector.extract %reduce_sum3A_1265[15] : f32 from vector<16xf32>
        %eq3A_1267 = arith.constant 2 : i32
        %eq3A_1268 = vector.broadcast %eq3A_1267 : i32 to vector<16xi32>
        %eq3A_1269 = arith.cmpi eq, %iota3A, %eq3A_1268 : vector<16xi32>
        %broadcast_in_dim3A_1270 = vector.broadcast %reduce_sum3A_1266 : f32 to vector<16xf32>
        %select_n3A_1271 = arith.select %eq3A_1269, %broadcast_in_dim3A_1270, %select_n3A_1241 : vector<16xi1>, vector<16xf32>
        %add3A_1272 = arith.constant 19 : i32
        %add3A_1273 = arith.addi %mul3A_192, %add3A_1272 : i32
        %get3A_1274 = arith.index_cast %add3A_1273 : i32 to index
        %get3A_1275 = arith.constant 0 : index
        %get3A_1276 = tpu.vector_load %arg12[%get3A_1274, %get3A_1275] {strides = array<i32>} : memref<672x64xf32, #tpu.memory_space<vmem>>, vector<16xf32>,
        %mul3A_1277 = arith.mulf %mul3A_662, %get3A_1276 : vector<16xf32>
        %get3A_1278 = arith.index_cast %add3A_1273 : i32 to index
        %get3A_1279 = arith.constant 16 : index
        %get3A_1280 = tpu.vector_load %arg12[%get3A_1278, %get3A_1279] {strides = array<i32>} : memref<672x64xf32, #tpu.memory_space<vmem>>, vector<16xf32>,
        %mul3A_1281 = arith.mulf %mul3A_665, %get3A_1280 : vector<16xf32>
        %add3A_1282 = arith.addf %mul3A_1277, %mul3A_1281 : vector<16xf32>
        %get3A_1283 = arith.index_cast %add3A_1273 : i32 to index
        %get3A_1284 = arith.constant 32 : index
        %get3A_1285 = tpu.vector_load %arg12[%get3A_1283, %get3A_1284] {strides = array<i32>} : memref<672x64xf32, #tpu.memory_space<vmem>>, vector<16xf32>,
        %mul3A_1286 = arith.mulf %mul3A_668, %get3A_1285 : vector<16xf32>
        %add3A_1287 = arith.addf %add3A_1282, %mul3A_1286 : vector<16xf32>
        %get3A_1288 = arith.index_cast %add3A_1273 : i32 to index
        %get3A_1289 = arith.constant 48 : index
        %get3A_1290 = tpu.vector_load %arg12[%get3A_1288, %get3A_1289] {strides = array<i32>} : memref<672x64xf32, #tpu.memory_space<vmem>>, vector<16xf32>,
        %mul3A_1291 = arith.mulf %mul3A_671, %get3A_1290 : vector<16xf32>
        %add3A_1292 = arith.addf %add3A_1287, %mul3A_1291 : vector<16xf32>
        %reduce_sum3A_1293 = arith.constant true
        %reduce_sum3A_1294 = vector.broadcast %reduce_sum3A_1293 : i1 to vector<16xi1>
        %reduce_sum3A_1295 = tpu.scan <sum>, %add3A_1292 masked %reduce_sum3A_1294 : vector<16xf32>, vector<16xi1> -> vector<16xf32>
        %reduce_sum3A_1296 = vector.extract %reduce_sum3A_1295[15] : f32 from vector<16xf32>
        %eq3A_1297 = arith.constant 3 : i32
        %eq3A_1298 = vector.broadcast %eq3A_1297 : i32 to vector<16xi32>
        %eq3A_1299 = arith.cmpi eq, %iota3A, %eq3A_1298 : vector<16xi32>
        %broadcast_in_dim3A_1300 = vector.broadcast %reduce_sum3A_1296 : f32 to vector<16xf32>
        %select_n3A_1301 = arith.select %eq3A_1299, %broadcast_in_dim3A_1300, %select_n3A_1271 : vector<16xi1>, vector<16xf32>
        %swap3A = arith.index_cast %scan3A_190 : i32 to index
        %swap3A_1302 = arith.constant 0 : index
        %swap3A_1303 = tpu.vector_load %arg13[%swap3A, %swap3A_1302] {strides = array<i32>} : memref<32x32xf32, #tpu.memory_space<vmem>>, vector<16xf32>,
        tpu.vector_store %arg13[%swap3A, %swap3A_1302], %select_n3A_1181 {strides = array<i32>} : memref<32x32xf32, #tpu.memory_space<vmem>>, vector<16xf32>,
        %swap3A_1304 = arith.index_cast %scan3A_190 : i32 to index
        %swap3A_1305 = arith.constant 16 : index
        %swap3A_1306 = tpu.vector_load %arg13[%swap3A_1304, %swap3A_1305] {strides = array<i32>} : memref<32x32xf32, #tpu.memory_space<vmem>>, vector<16xf32>,
        tpu.vector_store %arg13[%swap3A_1304, %swap3A_1305], %select_n3A_1301 {strides = array<i32>} : memref<32x32xf32, #tpu.memory_space<vmem>>, vector<16xf32>,
      }
      %scan3A_189 = arith.constant 32 : i32
      "tpu.region"() ({
        %run_scoped3A = tpu.sem_alloc : memref<!tpu.dma_semaphore, #tpu.memory_space<semaphore_mem>>
        %dma_start3A_190 = arith.constant 0 : i32
        %dma_start3A_191 = tpu.memref_slice %arg7[%add3A_11, %dma_start3A_190] : memref<16384x32xf32, #tpu.memory_space<hbm>> -> memref<32x32xf32, #tpu.memory_space<hbm>>
        %dma_start3A_192 = arith.constant 0 : i32
        %dma_start3A_193 = tpu.memref_slice %arg7[%add3A_11, %dma_start3A_192] : memref<16384x32xf32, #tpu.memory_space<hbm>> -> memref<32x32xf32, #tpu.memory_space<hbm>>
        tpu.enqueue_dma source(%arg13 : memref<32x32xf32, #tpu.memory_space<vmem>>) target(%dma_start3A_193 : memref<32x32xf32, #tpu.memory_space<hbm>>) target_semaphore(%run_scoped3A : memref<!tpu.dma_semaphore, #tpu.memory_space<semaphore_mem>>)
        %dma_wait3A_194 = arith.constant 0 : i32
        %dma_wait3A_195 = tpu.memref_slice %arg7[%add3A_11, %dma_wait3A_194] : memref<16384x32xf32, #tpu.memory_space<hbm>> -> memref<32x32xf32, #tpu.memory_space<hbm>>
        %dma_wait3A_196 = arith.constant 0 : i32
        %dma_wait3A_197 = tpu.memref_slice %arg7[%add3A_11, %dma_wait3A_196] : memref<16384x32xf32, #tpu.memory_space<hbm>> -> memref<32x32xf32, #tpu.memory_space<hbm>>
        tpu.wait_dma2 semaphore(%run_scoped3A : memref<!tpu.dma_semaphore, #tpu.memory_space<semaphore_mem>>) src(%arg13 : memref<32x32xf32, #tpu.memory_space<vmem>>) dst(%dma_wait3A_197 : memref<32x32xf32, #tpu.memory_space<hbm>>)
        tpu.yield
      }) : () -> ()
    }
    %scan3A_5 = arith.constant 16 : i32
    return
  }
}

</mosaic_0001>

<sc_bundles>
// kernel: _cbow_sc.3.cloned.1.call-start
scs
__scs_entry_jumppad:
0x0: {  	(pc) =	sbr.rel $0x88, $3  }
0x1: {  	(tag) =	ssettag $0x0;
	lr =	simm.s32 $0x1  }
0x2: {  	[smem:$0x3F9C] =	sst lr;
	_ =	strace $0xD0000000  }
0x3: {  	_ = 	snop  }
0x4: {  	_ = 	snop  }
0x5: {  	_ = 	snop  }
0x6: {  	_ = 	snop  }
0x7: {  	_ = 	snop  }
__scs_overlays_trampoline_lowered:
0x8: {  	[smem:$0x3FAB] =	sst s0  }
0x9: {  	[smem:$0x3FAC] =	sst s1  }
0xa: {  	[smem:$0x3FAD] =	sst s2  }
0xb: {  	[smem:$0x3FAE] =	sst s3  }
0xc: {  	[smem:$0x3FAF] =	sst s4  }
0xd: {  	[smem:$0x3FB0] =	sst s5  }
0xe: {  	[smem:$0x3FB1] =	sst s6  }
0xf: {  	[smem:$0x3FB2] =	sst s7  }
0x10: {  	[smem:$0x3FB3] =	sst s8  }
0x11: {  	[smem:$0x3FB4] =	sst s9;
	s0 =	simm.s32 @!p0 $0x0  }
0x12: {  	s1 =	sld [smem:$0x3F9A];
	s0 =	simm.s32 @p0 $0x1  }
0x13: {  	[smem:$0x3FB5] =	sst s0;
	s0 =	simm.s32 @!p1 $0x0  }
0x14: {  	s2 =	sld [smem:$0x3F99];
	s0 =	simm.s32 @p1 $0x1  }
0x15: {  	[smem:$0x3FB6] =	sst s0;
	s0 =	simm.s32 @!p2 $0x0  }
0x16: {  	s3 =	sld [smem:$0x3FDB];
	s0 =	simm.s32 @p2 $0x1  }
0x17: {  	s4 =	simm.s32 $0x1BF5;
	[smem:$0x3FB8] =	sst s0  }
0x18: {  	s0 =	sld [smem:$0x3F9B];
	_ =	swait.ge [sflag:s4], $0x0  }
0x19: {  	s7 =	sld [smem:$0x3F9C]  }
0x1a: {  	s8 =	sadd.s32 $0xFFFFE003, lr  }
0x1b: {  	s9 =	sadd.s32 $0xFFFFFEF7, lr;
	s5 =	simm.s32 $0xFFFFFFFF;
	p2 =	slt.u32 s8, $0xFFFFF086  }
0x1c: {  	p1 =	slt.u32 s9, $0xF7A;
	s5 =	simm.s32 @!p2 $0x0  }
0x1d: {  	s5 =	simm.s32 @p1 $0x1;
	p0 =	seq.s32 s7, s2  }
0x1e: {  	s7 =	smul.u32 @!p0 $0xF7A, s2;
	p2 =	seq.s32 @!p0 s5, $0x0  }
0x1f: {  	s9 =	smul.u32 $0xF7A, s1;
	s8 =	simm.s32 @!p0 $0x1BF5;
	p2 =	por !p2, p0  }
0x20: {  	[sflag:s8] =	ssyncset.s32 @!p0 $0xFFFFF086;
	s6 =	sadd.s32 @!p0 s3, s7;
	s7 =	simm.s32 @!p0 $0x108  }
0x21: {  	s3 =	sadd.s32 s3, s9;
	s6 =	sadd.s32 @!p0 $0x88, s6;
	s7 =	simm.s32 @p2 $0x1082  }
0x22: {  	[simem:s7], [sflag:s8] =	dma.local @!p0 [hbm:s6], $0xF7A  }
0x23: {  	s9 =	sor.u32 $0xD0000000, s2;
	s6 =	simm.s32 $0x108;
	_ =	swait.ge @!p0 [sflag:s8], $0x0  }
0x24: {  	s3 =	sadd.s32 $0x88, s3;
	s6 =	simm.s32 @!p1 $0x1082;
	[sflag:s4] =	ssyncset.s32 $0xFFFFF086  }
0x25: {  	[simem:s6], [sflag:s4] =	dma.local [hbm:s3], $0xF7A  }
0x26: {  	[smem:$0x3F9C] =	sst s1;
	(tag) =	ssettag s2;
	_ =	strace s9  }
0x27: {  	s1 =	sld [smem:$0x3FAC]  }
0x28: {  	s2 =	sld [smem:$0x3FAD]  }
0x29: {  	s4 =	sld [smem:$0x3FAF]  }
0x2a: {  	p0 =	seq.s32 s5, $0x0;
	s5 =	sld [smem:$0x3FB0]  }
0x2b: {  	s6 =	sld [smem:$0x3FB1]  }
0x2c: {  	s7 =	sld [smem:$0x3FB2]  }
0x2d: {  	s3 =	simm.s32 $0x108;
	s8 =	sld [smem:$0x3FB3]  }
0x2e: {  	s3 =	simm.s32 @!p0 $0x1082;
	s9 =	sld [smem:$0x3FB4]  }
0x2f: {  	lr =	sadd.s32 s0, s3;
	s0 =	sld [smem:$0x3FAB]  }
0x30: {  	s3 =	sld [smem:$0x3FAE]  }
0x31: {  	[smem:$0x3FB7] =	sst s10  }
0x32: {  	s10 =	sld [smem:$0x3FB5];
	_ =	sdelay $0x3  }
0x33: {  	p0 =	seq.s32 s10, $0x1;
	s10 =	sld [smem:$0x3FB7];
	_ =	sdelay $0x3  }
0x34: {  	[smem:$0x3FB7] =	sst s10  }
0x35: {  	s10 =	sld [smem:$0x3FB6];
	_ =	sdelay $0x3  }
0x36: {  	p1 =	seq.s32 s10, $0x1;
	s10 =	sld [smem:$0x3FB7];
	_ =	sdelay $0x3  }
0x37: {  	[smem:$0x3FB7] =	sst s10  }
0x38: {  	s10 =	sld [smem:$0x3FB8]  }
0x39: {  	_ = 	snop;
	(pc) =	sbr.ind lr, $3  }
0x3a: {  	_ = 	snop  }
0x3b: {  	_ = 	snop  }
0x3c: {  	p2 =	seq.s32 s10, $0x1;
	s10 =	sld [smem:$0x3FB7]  }
0x3d: {  	_ =	shalt  }
0x3e: {  	_ =	shalt  }
0x3f: {  	_ =	shalt  }
0x40: {  	_ =	shalt  }
0x41: {  	_ =	shalt  }
0x42: {  	_ =	shalt  }
0x43: {  	_ =	shalt  }
0x44: {  	_ =	shalt  }
0x45: {  	_ =	shalt  }
0x46: {  	_ =	shalt  }
0x47: {  	_ =	shalt  }
0x48: {  	_ =	shalt  }
0x49: {  	_ =	shalt  }
0x4a: {  	_ =	shalt  }
0x4b: {  	_ =	shalt  }
0x4c: {  	_ =	shalt  }
0x4d: {  	_ =	shalt  }
0x4e: {  	_ =	shalt  }
0x4f: {  	_ =	shalt  }
0x50: {  	_ =	shalt  }
0x51: {  	_ =	shalt  }
0x52: {  	_ =	shalt  }
0x53: {  	_ =	shalt  }
0x54: {  	_ =	shalt  }
0x55: {  	_ =	shalt  }
0x56: {  	_ =	shalt  }
0x57: {  	_ =	shalt  }
0x58: {  	_ =	shalt  }
0x59: {  	_ =	shalt  }
0x5a: {  	_ =	shalt  }
0x5b: {  	_ =	shalt  }
0x5c: {  	_ =	shalt  }
0x5d: {  	_ =	shalt  }
0x5e: {  	_ =	shalt  }
0x5f: {  	_ =	shalt  }
0x60: {  	_ =	shalt  }
0x61: {  	_ =	shalt  }
0x62: {  	_ =	shalt  }
0x63: {  	_ =	shalt  }
0x64: {  	_ =	shalt  }
0x65: {  	_ =	shalt  }
0x66: {  	_ =	shalt  }
0x67: {  	_ =	shalt  }
0x68: {  	_ =	shalt  }
0x69: {  	_ =	shalt  }
0x6a: {  	_ =	shalt  }
0x6b: {  	_ =	shalt  }
0x6c: {  	_ =	shalt  }
0x6d: {  	_ =	shalt  }
0x6e: {  	_ =	shalt  }
0x6f: {  	_ =	shalt  }
0x70: {  	_ =	shalt  }
0x71: {  	_ =	shalt  }
0x72: {  	_ =	shalt  }
0x73: {  	_ =	shalt  }
0x74: {  	_ =	shalt  }
0x75: {  	_ =	shalt  }
0x76: {  	_ =	shalt  }
0x77: {  	_ =	shalt  }
0x78: {  	_ =	shalt  }
0x79: {  	_ =	shalt  }
0x7a: {  	_ =	shalt  }
0x7b: {  	_ =	shalt  }
0x7c: {  	_ =	shalt  }
0x7d: {  	_ =	shalt  }
0x7e: {  	_ =	shalt  }
0x7f: {  	_ =	shalt  }
0x80: {  	_ =	shalt  }
0x81: {  	_ =	shalt  }
0x82: {  	_ =	shalt  }
0x83: {  	_ =	shalt  }
0x84: {  	_ =	shalt  }
0x85: {  	_ =	shalt  }
0x86: {  	_ =	shalt  }
0x87: {  	_ =	shalt  }
.Lfunc_end0:
.L_simem_size_0:
called_computation_lowered:
.L_overlay_start_0:
0x88: {  	s2 =	sld [smem:$0x3FD9]  }
0x89: {  	s3 =	sld [smem:$0x3FFE];
	_ =	sdelay $0x1  }
0x8a: {  	s1 =	srdreg.scid  }
0x8b: {  	s0 =	sand.u32 $0x1, s1  }
0x8c: {  	s17 =	sshll.u32 s0, $0xA;
	s2 =	sadd.s32 s3, s2  }
0x8d: {  	s2 =	sadd.s32 s2, s17  }
0x8e: {  	[smem:$0x3FC3] =	sst s2  }
0x8f: {  	_ = 	snop  }
0x90: {  	s2 =	sld [smem:$0x3FC9]  }
0x91: {  	s18 =	sld [smem:$0x3FC8]  }
0x92: {  	s4 =	sld [smem:$0x3FC7]  }
0x93: {  	s5 =	sld [smem:$0x3FD0];
	(tm) =	ssettm $0x1  }
0x94: {  	s6 =	sld [smem:$0x3FFB];
	_ =	sdelay $0x3  }
0x95: {  	_ =	strace s6  }
0x96: {  	s6 =	sld [smem:$0x3FFC];
	_ =	sdelay $0x3  }
0x97: {  	_ =	strace s6  }
0x98: {  	s6 =	sld [smem:$0x3FFD];
	_ =	sdelay $0x3  }
0x99: {  	_ =	strace s6  }
0x9a: {  	_ =	strace $0x8FFFFFFF  }
0x9b: {  	s19 =	sld [smem:$0x3FDB];
	_ =	sdelay $0x1  }
0x9c: {  	s7 =	simm.s32 $_scs_section_size  }
0x9d: {  	s8 =	simm.s32 $_size__tile_overlayer_lowered;
	s9 =	simm.s32 $_tile_overlayer_lowered  }
0x9e: {  	s22 =	simm.s32 $0x1BFF;
	s21 =	sshll.u32 s9, $0x1;
	s6 =	sadd.s32 s7, s19  }
0x9f: {  	s10 =	simm.s32 $0x0;
	s20 =	sshll.u32 s8, $0x1;
	s8 =	sadd.s32 s21, s6  }
0xa0: {  	[timem:s10], [sflag:s22] =	dma.local [hbm:s8], s20  }
0xa1: {  	_ =	swait.ge [sflag:s22], s20  }
0xa2: {  	s7 =	ssub.s32 $0x0, s20;
	[sflag:s22] =	ssyncset.done $0x0  }
0xa3: {  	[sflag:s22] =	ssyncadd.s32 s7;
	_ =	sdelay $0x1  }
0xa4: {  	s23 =	simm.s32 $0x1B8B  }
0xa5: {  	_ =	swait.ge [sflag:s23], $0x1  }
0xa6: {  	[sflag:s23] =	ssyncset.done $0x0  }
0xa7: {  	s25 =	simm.s32 $0x1B8E;
	s24 =	sld [smem:$0x3FFE];
	[sflag:s23] =	ssyncadd.s32 $0xFFFFFFFF  }
0xa8: {  	s26 =	simm.s32 $execute0_lowered;
	[smem:$0x3FD2] =	sst s25  }
0xa9: {  	s8 =	sshll.u32 s26, $0x1;
	_ =	strace $0x80000046;
	[dreg:$0x1] =	wrdreg $0xFFFFFFFF  }
0xaa: {  	s28 =	simm.s32 $_size_execute0_lowered;
	s6 =	sadd.s32 s6, s8;
	[dreg:$0x0] =	wrdreg $0x0  }
0xab: {  	s8 =	sshll.u32 s28, $0x1;
	[dreg:$0x2] =	wrdreg s6  }
0xac: {  	[dreg:$0x3] =	wrdreg s8  }
0xad: {  	[dreg:$0x4] =	wrdreg $0xC0  }
0xae: {  	_ =	task [dreg:s10], $0x5FFFF  }
0xaf: {  	[dreg:$0x1] =	wrdreg $0xFFFFFFFF  }
0xb0: {  	[dreg:$0x0] =	wrdreg $0x60  }
0xb1: {  	[dreg:$0x2] =	wrdreg s2  }
0xb2: {  	[dreg:$0x3] =	wrdreg s18  }
0xb3: {  	[dreg:$0x4] =	wrdreg s4  }
0xb4: {  	[dreg:$0x5] =	wrdreg s24  }
0xb5: {  	[dreg:$0x6] =	wrdreg s5  }
0xb6: {  	[dreg:$0x7] =	wrdreg $0x9  }
0xb7: {  	_ =	task.clear_ibuf [dreg:s10], $0x8FFFF;
	_ =	strace $0x90000046  }
0xb8: {  	s29 =	simm.s32 $0x9;
	_ =	strace $0x80000048  }
0xb9: {  	_ =	swait.ge [sflag:s29], $0x1  }
0xba: {  	[sflag:s29] =	ssyncadd.s32 $0xFFFFFFFF  }
0xbb: {  	_ =	strace $0x90000048  }
0xbc: {  	_ =	sfence  }
0xbd: {  	s30 =	sld [smem:$0x0];
	_ =	sdelay $0x2  }
0xbe: {  	s31 =	sshll.u32 s1, $0xD;
	s1 =	sshrl.u32 s1, $0x2  }
0xbf: {  	s3 =	sand.u32 $0x4000, s31;
	s1 =	sadd.s32 s1, s30  }
0xc0: {  	s0 =	sor.u32 s3, s0;
	s1 =	sshll.u32 s1, $0x11  }
0xc1: {  	s0 =	sor.u32 s1, s0  }
0xc2: {  	s0 =	sadd.s32 $0x8F2B, s0  }
0xc3: {  	[sflag:s0] =	ssyncadd.remote.s32 $0x1  }
0xc4: {  	_ =	sfence.sel $0xFFFF  }
0xc5: {  	[dreg:$0x0] =	wrdreg $0xFFFFFFFF;
	(pc) =	sbr.abs _section_cstart, $3  }
0xc6: {  	[dreg:$0x1] =	wrdreg $0xFFFFFFFF  }
0xc7: {  	_ =	task.clear_ibuf [dreg:s10], $0x2FFFF;
	_ =	strace $0x9FFFFFFF  }
0xc8: {  	(tm) =	ssettm $0x7FFFFFFF  }
0xc9: {  	_ =	shalt  }
tec
execute0_lowered:
.L_overlay_start_1:
0x0: {  	(tag) =	ssettag $0x1  }
0x1: {  	s0 =	rddreg [dreg:$0x3];
	s1 =	simm.s32 $0x0;
	s25 =	srdreg.scid  }
0x2: {  	s4 =	stileid.u32;
	s11 =	simm.s32 $0x2;
	s12 =	simm.s32 $0x280  }
0x3: {  	s13 =	simm.s32 $0x500;
	s14 =	simm.s32 $0x80;
	s19 =	simm.s32 $0xC520  }
0x4: {  	s20 =	simm.s32 $0x100;
	s21 =	simm.s32 $0x4520;
	s22 =	simm.s32 $0x380  }
0x5: {  	s23 =	simm.s32 $0xE520;
	s24 =	simm.s32 $0x180;
	s28 =	simm.s32 $0x10520  }
0x6: {  	s29 =	simm.s32 $0x200;
	s30 =	simm.s32 $0x8520;
	s31 =	simm.s32 $0x480  }
0x7: {  	s6 =	simm.s32 $0x20;
	s10 =	simm.s32 $0x14520;
	[smem:$0x7FF] =	sst s1  }
0x8: {  	s1 =	sand.u32 $0x1, s25;
	s7 =	sadd.s32 $0xF42800, s0;
	s4 =	sshll.u32 s4, $0xA  }
0x9: {  	vm1 =	vmmov $0x1;
	vm2 =	vmmov $0x3;
	vm3 =	vmmov $0x7;
	s8 =	sadd.s32 $0x16E3A00, s0;
	s25 =	simm.s32 $0x6520;
	s2 =	ssub.s32 $0x2, s1  }
0xa: {  	vm4 =	vmmov $0xf;
	vm5 =	vmmov $0x1f;
	vm6 =	vmmov $0x3f;
	_ =	strace $0x80000047;
	s1 =	sshll.u32 s1, $0x9;
	s3 =	sshrl.u32 s2, $0x1  }
0xb: {  	vm7 =	vmmov $0x7f;
	vm8 =	vmmov $0xff;
	vm9 =	vmmov $0x1ff;
	s9 =	sor.u32 s1, s4;
	s1 =	simm.s32 $0x1;
	s26 =	ssub.s32 s2, s3  }
0xc: {  	vm10 =	vmmov $0x3ff;
	vm11 =	vmmov $0x7ff;
	vm12 =	vmmov $0xfff;
	s4 =	simm.s32 $0x0;
	s2 =	simm.s32 $0x14D20;
	s0 =	smax.u32 s26, $0x1  }
0xd: {  	vm13 =	vmmov $0x1fff;
	vm14 =	vmmov $0x3fff;
	vm15 =	vmmov $0x7fff;
	s26 =	simm.s32 $0x400;
	[dreg:$0x6] =	wrdreg s0;
	s0 =	simm.s32 $0x12520  }
.LBB2_1:
0xe: {  	[dreg:$0x7] =	wrdreg s4;
	s3 =	simm.s32 $0x0  }
.LBB2_2:
0xf: {  	s4 =	sshll.u32 s3, $0x5  }
0x10: {  	s4 =	sadd.s32 s9, s4  }
0x11: {  	s5 =	smul.u32 $0x14, s4;
	_ =	sdelay $0x1  }
0x12: {  	s17 =	rddreg [dreg:$0x1];
	s15 =	sshrl.u32 s5, $0x3  }
0x13: {  	s5 =	simm.s32 $0x0;
	s16 =	sadd.s32 s17, s15  }
0x14: {  	[tilespmem:s5], [sflag:$0x2] =	stream.linear.gather [hbm4b:s16+s5], $0x280, $0x38;
	[tilespmem:$0x15120] =	vst v63  }
0x15: {  	_ =	swait.ge [sflag:s11], $0x280  }
0x16: {  	[sflag:s11] =	ssyncset.done $0x0  }
0x17: {  	[sflag:s11] =	ssyncadd.s32 $0xFFFFFD80  }
0x18: {  	s18 =	rddreg [dreg:$0x2]  }
0x19: {  	s15 =	sadd.s32 s18, s15  }
0x1a: {  	[tilespmem:s12], [sflag:$0x2] =	stream.linear.gather [hbm4b:s15+s5], $0x280, $0x38;
	[tilespmem:$0x15120] =	vst v63  }
0x1b: {  	_ =	swait.ge [sflag:s11], $0x280  }
0x1c: {  	[sflag:s11] =	ssyncset.done $0x0  }
0x1d: {  	[sflag:s11] =	ssyncadd.s32 $0xFFFFFD80  }
0x1e: {  	s16 =	sshrl.u32 s4, $0x3;
	s17 =	rddreg [dreg:$0x0]  }
0x1f: {  	s15 =	sadd.s32 s17, s16  }
0x20: {  	[tilespmem:s13], [sflag:$0x2] =	stream.linear.gather [hbm4b:s15+s5], $0x20, $0x38;
	[tilespmem:$0x15120] =	vst v63  }
0x21: {  	_ =	swait.ge [sflag:s11], $0x20  }
0x22: {  	[sflag:s11] =	ssyncset.done $0x0  }
0x23: {  	s18 =	simm.s32 $0x520;
	[sflag:s11] =	ssyncadd.s32 $0xFFFFFFE0  }
0x24: {  	[tilespmem:s18], [sflag:$0x1] =	stream.indirect.gather [hbm4b:s7+s14], $0x40, s5, s14, $0xb8;
	[tilespmem:$0x15120] =	vst v63  }
0x25: {  	s16 =	simm.s32 $0xA520  }
0x26: {  	[tilespmem:s16], [sflag:$0x1] =	stream.indirect.gather [hbm4b:s8+s14], $0x40, s12, s14, $0xb8;
	[tilespmem:$0x15120] =	vst v63  }
0x27: {  	s17 =	simm.s32 $0x2520  }
0x28: {  	[tilespmem:s17], [sflag:$0x1] =	stream.indirect.gather [hbm4b:s7+s14], $0x40, s14, s14, $0xb8;
	[tilespmem:$0x15120] =	vst v63  }
0x29: {  	s18 =	simm.s32 $0x300  }
0x2a: {  	[tilespmem:s19], [sflag:$0x1] =	stream.indirect.gather [hbm4b:s8+s14], $0x40, s18, s14, $0xb8;
	[tilespmem:$0x15120] =	vst v63  }
0x2b: {  	_ = 	snop  }
0x2c: {  	[tilespmem:s21], [sflag:$0x1] =	stream.indirect.gather [hbm4b:s7+s14], $0x40, s20, s14, $0xb8;
	[tilespmem:$0x15120] =	vst v63  }
0x2d: {  	_ = 	snop  }
0x2e: {  	[tilespmem:s23], [sflag:$0x1] =	stream.indirect.gather [hbm4b:s8+s14], $0x40, s22, s14, $0xb8;
	[tilespmem:$0x15120] =	vst v63  }
0x2f: {  	_ = 	snop  }
0x30: {  	[tilespmem:s25], [sflag:$0x1] =	stream.indirect.gather [hbm4b:s7+s14], $0x40, s24, s14, $0xb8;
	[tilespmem:$0x15120] =	vst v63  }
0x31: {  	_ = 	snop  }
0x32: {  	[tilespmem:s28], [sflag:$0x1] =	stream.indirect.gather [hbm4b:s8+s14], $0x40, s26, s14, $0xb8;
	[tilespmem:$0x15120] =	vst v63  }
0x33: {  	_ = 	snop  }
0x34: {  	[tilespmem:s30], [sflag:$0x1] =	stream.indirect.gather [hbm4b:s7+s14], $0x40, s29, s14, $0xb8;
	[tilespmem:$0x15120] =	vst v63  }
0x35: {  	_ = 	snop  }
0x36: {  	[tilespmem:s0], [sflag:$0x1] =	stream.indirect.gather [hbm4b:s8+s14], $0x40, s31, s14, $0xb8;
	[tilespmem:$0x15120] =	vst v63  }
0x37: {  	_ = 	snop  }
0x38: {  	[tilespmem:s10], [sflag:$0x1] =	stream.indirect.gather [hbm4b:s8+s6], $0x40, s13, s6, $0xb8;
	[tilespmem:$0x15120] =	vst v63  }
0x39: {  	_ =	swait.ge [sflag:s1], $0x2000  }
0x3a: {  	[sflag:s1] =	ssyncset.done $0x0  }
0x3b: {  	[sflag:s1] =	ssyncadd.s32 $0xFFFFE000  }
0x3c: {  	_ =	swait.ge [sflag:s1], $0x2000  }
0x3d: {  	[sflag:s1] =	ssyncset.done $0x0  }
0x3e: {  	[sflag:s1] =	ssyncadd.s32 $0xFFFFE000  }
0x3f: {  	_ =	swait.ge [sflag:s1], $0x2000  }
0x40: {  	[sflag:s1] =	ssyncset.done $0x0  }
0x41: {  	[sflag:s1] =	ssyncadd.s32 $0xFFFFE000  }
0x42: {  	_ =	swait.ge [sflag:s1], $0x2000  }
0x43: {  	[sflag:s1] =	ssyncset.done $0x0  }
0x44: {  	[sflag:s1] =	ssyncadd.s32 $0xFFFFE000  }
0x45: {  	_ =	swait.ge [sflag:s1], $0x2000  }
0x46: {  	[sflag:s1] =	ssyncset.done $0x0  }
0x47: {  	[sflag:s1] =	ssyncadd.s32 $0xFFFFE000  }
0x48: {  	_ =	swait.ge [sflag:s1], $0x2000  }
0x49: {  	[sflag:s1] =	ssyncset.done $0x0  }
0x4a: {  	[sflag:s1] =	ssyncadd.s32 $0xFFFFE000  }
0x4b: {  	_ =	swait.ge [sflag:s1], $0x2000  }
0x4c: {  	[sflag:s1] =	ssyncset.done $0x0  }
0x4d: {  	[sflag:s1] =	ssyncadd.s32 $0xFFFFE000  }
0x4e: {  	_ =	swait.ge [sflag:s1], $0x2000  }
0x4f: {  	[sflag:s1] =	ssyncset.done $0x0  }
0x50: {  	[sflag:s1] =	ssyncadd.s32 $0xFFFFE000  }
0x51: {  	_ =	swait.ge [sflag:s1], $0x2000  }
0x52: {  	[sflag:s1] =	ssyncset.done $0x0  }
0x53: {  	[sflag:s1] =	ssyncadd.s32 $0xFFFFE000  }
0x54: {  	_ =	swait.ge [sflag:s1], $0x2000  }
0x55: {  	[sflag:s1] =	ssyncset.done $0x0  }
0x56: {  	[sflag:s1] =	ssyncadd.s32 $0xFFFFE000  }
0x57: {  	_ =	swait.ge [sflag:s1], $0x800  }
0x58: {  	[sflag:s1] =	ssyncset.done $0x0  }
0x59: {  	s15 =	simm.s32 $0x13C0;
	s16 =	simm.s32 $0x14D30;
	[sflag:s1] =	ssyncadd.s32 $0xFFFFF800  }
.LBB2_3:
0x5a: {  	s17 =	sshra.s32 s15, $0x2  }
0x5b: {  	v0 =	vld [tilespmem:s17+$0x30]  }
0x5c: {  	v1 =	vld [tilespmem:s17+$0x40]  }
0x5d: {  	v2 =	vld [tilespmem:s17+$0x50]  }
0x5e: {  	v3 =	vld [tilespmem:s17+$0x60]  }
0x5f: {  	v4 =	vld [tilespmem:s17+$0x70]  }
0x60: {  	v5 =	vld [tilespmem:s17+$0x80]  }
0x61: {  	v6 =	vld [tilespmem:s17+$0x90]  }
0x62: {  	v7 =	vld [tilespmem:s17+$0xA0]  }
0x63: {  	v8 =	vld [tilespmem:s17+$0xB0]  }
0x64: {  	v9 =	vld [tilespmem:s17+$0xC0]  }
0x65: {  	v10 =	vld [tilespmem:s17+$0xD0]  }
0x66: {  	v11 =	vld [tilespmem:s17+$0xE0]  }
0x67: {  	v12 =	vld [tilespmem:s17+$0xF0]  }
0x68: {  	v13 =	vld [tilespmem:s17+$0x100]  }
0x69: {  	v14 =	vld [tilespmem:s17+$0x110]  }
0x6a: {  	v15 =	vld [tilespmem:s17+$0x120]  }
0x6b: {  	v16 =	vld [tilespmem:s17+$0x130]  }
0x6c: {  	v17 =	vld [tilespmem:s17+$0x140]  }
0x6d: {  	v18 =	vld [tilespmem:s17+$0x150]  }
0x6e: {  	v19 =	vld [tilespmem:s17+$0x160]  }
0x6f: {  	v20 =	vld [tilespmem:s17+$0x170]  }
0x70: {  	v21 =	vld [tilespmem:s17+$0x180]  }
0x71: {  	v22 =	vld [tilespmem:s17+$0x190]  }
0x72: {  	v23 =	vld [tilespmem:s17+$0x1A0]  }
0x73: {  	v24 =	vld [tilespmem:s17+$0x1B0]  }
0x74: {  	v25 =	vld [tilespmem:s17+$0x1C0]  }
0x75: {  	v26 =	vld [tilespmem:s17+$0x1D0]  }
0x76: {  	v27 =	vld [tilespmem:s17+$0x1E0]  }
0x77: {  	v28 =	vld [tilespmem:s17+$0x1F0]  }
0x78: {  	v29 =	vld [tilespmem:s17+$0x200]  }
0x79: {  	v30 =	vld [tilespmem:s17+$0x210]  }
0x7a: {  	v31 =	vld [tilespmem:s17+$0x220]  }
0x7b: {  	v32 =	vld [tilespmem:s17+$0x230]  }
0x7c: {  	v33 =	vld [tilespmem:s17+$0x240]  }
0x7d: {  	v34 =	vld [tilespmem:s17+$0x250]  }
0x7e: {  	v35 =	vld [tilespmem:s17+$0x260]  }
0x7f: {  	v36 =	vld [tilespmem:s17+$0x270]  }
0x80: {  	v37 =	vld [tilespmem:s17+$0x280]  }
0x81: {  	v38 =	vld [tilespmem:s17+$0x290]  }
0x82: {  	v39 =	vld [tilespmem:s17+$0x2A0]  }
0x83: {  	v40 =	vld [tilespmem:s17+$0x2B0]  }
0x84: {  	v41 =	vld [tilespmem:s17+$0x2C0]  }
0x85: {  	v42 =	vld [tilespmem:s17+$0x2D0]  }
0x86: {  	v43 =	vld [tilespmem:s17+$0x2E0]  }
0x87: {  	v44 =	vld [tilespmem:s17+$0x2F0]  }
0x88: {  	v45 =	vld [tilespmem:s17+$0x300]  }
0x89: {  	v46 =	vld [tilespmem:s17+$0x310]  }
0x8a: {  	v47 =	vld [tilespmem:s17+$0x320]  }
0x8b: {  	v48 =	vld [tilespmem:s17+$0x330]  }
0x8c: {  	v49 =	vld [tilespmem:s17+$0x340]  }
0x8d: {  	v50 =	vld [tilespmem:s17+$0x350]  }
0x8e: {  	v51 =	vld [tilespmem:s17+$0x360]  }
0x8f: {  	v52 =	vld [tilespmem:s17+$0x370]  }
0x90: {  	v53 =	vld [tilespmem:s17+$0x380]  }
0x91: {  	v54 =	vld [tilespmem:s17+$0x390]  }
0x92: {  	v55 =	vld [tilespmem:s17+$0x3A0]  }
0x93: {  	v56 =	vld [tilespmem:s17+$0x3B0]  }
0x94: {  	v57 =	vld [tilespmem:s17+$0x3C0]  }
0x95: {  	v58 =	vld [tilespmem:s17+$0x3D0]  }
0x96: {  	v62 =	vld [tilespmem:s17+$0x3E0]  }
0x97: {  	v60 =	vld [tilespmem:s17+$0x3F0]  }
0x98: {  	v63 =	vld [tilespmem:s17+$0x420]  }
0x99: {  	[tilespmem:$0x1FF10] =	vst v55;
	v55 =	vld [tilespmem:s17+$0x450]  }
0x9a: {  	v61 =	vld [tilespmem:s17+$0x400]  }
0x9b: {  	v59 =	vld [tilespmem:s17+$0x430]  }
0x9c: {  	[tilespmem:$0x1FF20] =	vst v62;
	v62 =	vld [tilespmem:s17+$0x410]  }
0x9d: {  	[tilespmem:$0x1FF30] =	vst v63;
	v63 =	vld [tilespmem:s17+$0x440]  }
0x9e: {  	[tilespmem:$0x1FF40] =	vst v55;
	v55 =	vld [tilespmem:s17+$0x460]  }
0x9f: {  	v0 =	vadd.f32 v4, v0;
	v4 =	vld [tilespmem:s17+$0x510]  }
0xa0: {  	s18 =	sshra.s32 s5, $0x2;
	v1 =	vadd.f32 v5, v1;
	v5 =	vld [tilespmem:s17+$0x520]  }
0xa1: {  	v2 =	vadd.f32 v6, v2;
	v6 =	vld [tilespmem:s18+$0x14520]  }
0xa2: {  	v3 =	vadd.f32 v7, v3;
	v7 =	vld [tilespmem:s18+$0x14530]  }
0xa3: {  	[tilespmem:$0x1FF70] =	vst v55;
	v55 =	vld [tilespmem:s17+$0x470]  }
0xa4: {  	v0 =	vadd.f32 v8, v0;
	v8 =	vld [tilespmem:s18+$0x14540]  }
0xa5: {  	v1 =	vadd.f32 v9, v1;
	v9 =	vld [tilespmem:s18+$0x14550]  }
0xa6: {  	v2 =	vadd.f32 v10, v2;
	v10 =	vld [tilespmem:s17+$0xA030]  }
0xa7: {  	v3 =	vadd.f32 v11, v3;
	v11 =	vld [tilespmem:s17+$0xA040]  }
0xa8: {  	[tilespmem:$0x1FF50] =	vst v55;
	v55 =	vld [tilespmem:s17+$0x480]  }
0xa9: {  	v0 =	vadd.f32 v12, v0;
	v12 =	vld [tilespmem:s17+$0xA050]  }
0xaa: {  	v1 =	vadd.f32 v13, v1;
	v13 =	vld [tilespmem:s17+$0xA060]  }
0xab: {  	v2 =	vadd.f32 v14, v2;
	v14 =	vld [tilespmem:s17+$0xA070]  }
0xac: {  	v3 =	vadd.f32 v15, v3;
	v15 =	vld [tilespmem:s17+$0xA080]  }
0xad: {  	[tilespmem:$0x1FF60] =	vst v55;
	v55 =	vld [tilespmem:s17+$0x490]  }
0xae: {  	v0 =	vadd.f32 v16, v0;
	v16 =	vld [tilespmem:s17+$0xA090]  }
0xaf: {  	v1 =	vadd.f32 v17, v1;
	v17 =	vld [tilespmem:s17+$0xA0A0]  }
0xb0: {  	v2 =	vadd.f32 v18, v2;
	v18 =	vld [tilespmem:s17+$0xA0B0]  }
0xb1: {  	v3 =	vadd.f32 v19, v3;
	v19 =	vld [tilespmem:s17+$0xA0C0]  }
0xb2: {  	[tilespmem:$0x1FF80] =	vst v55;
	v55 =	vld [tilespmem:s17+$0x4A0]  }
0xb3: {  	v0 =	vadd.f32 v20, v0;
	v20 =	vld [tilespmem:s17+$0xA0D0]  }
0xb4: {  	v1 =	vadd.f32 v21, v1;
	v21 =	vld [tilespmem:s17+$0xA0E0]  }
0xb5: {  	v2 =	vadd.f32 v22, v2;
	v22 =	vld [tilespmem:s17+$0xA0F0]  }
0xb6: {  	v3 =	vadd.f32 v23, v3;
	v23 =	vld [tilespmem:s17+$0xA100]  }
0xb7: {  	[tilespmem:$0x1FFB0] =	vst v55;
	v55 =	vld [tilespmem:s17+$0x4B0]  }
0xb8: {  	v0 =	vadd.f32 v24, v0;
	v24 =	vld [tilespmem:s17+$0xA110]  }
0xb9: {  	v1 =	vadd.f32 v25, v1;
	v25 =	vld [tilespmem:s17+$0xA120]  }
0xba: {  	v2 =	vadd.f32 v26, v2;
	v26 =	vld [tilespmem:s17+$0xA130]  }
0xbb: {  	v3 =	vadd.f32 v27, v3;
	v27 =	vld [tilespmem:s17+$0xA140]  }
0xbc: {  	[tilespmem:$0x1FF90] =	vst v55;
	v55 =	vld [tilespmem:s17+$0x4C0]  }
0xbd: {  	v0 =	vadd.f32 v28, v0;
	v28 =	vld [tilespmem:s17+$0xA150]  }
0xbe: {  	v1 =	vadd.f32 v29, v1;
	v29 =	vld [tilespmem:s17+$0xA160]  }
0xbf: {  	v2 =	vadd.f32 v30, v2;
	v30 =	vld [tilespmem:s17+$0xA170]  }
0xc0: {  	v3 =	vadd.f32 v31, v3;
	v31 =	vld [tilespmem:s17+$0xA180]  }
0xc1: {  	v0 =	vadd.f32 v32, v0;
	[tilespmem:$0x1FFA0] =	vst v55;
	v55 =	vld [tilespmem:s17+$0x4D0]  }
0xc2: {  	v1 =	vadd.f32 v33, v1;
	v32 =	vld [tilespmem:s17+$0xA190]  }
0xc3: {  	v2 =	vadd.f32 v34, v2;
	v33 =	vld [tilespmem:s17+$0xA1A0];
	v0 =	vadd.f32 v36, v0  }
0xc4: {  	v3 =	vadd.f32 v35, v3;
	v34 =	vld [tilespmem:s17+$0xA1B0];
	v1 =	vadd.f32 v37, v1  }
0xc5: {  	v35 =	vld [tilespmem:s17+$0xA1C0];
	v2 =	vadd.f32 v38, v2;
	v0 =	vadd.f32 v40, v0  }
0xc6: {  	v3 =	vadd.f32 v39, v3;
	v1 =	vadd.f32 v41, v1;
	[tilespmem:$0x1FFC0] =	vst v55;
	v55 =	vld [tilespmem:s17+$0x4E0]  }
0xc7: {  	v2 =	vadd.f32 v42, v2;
	v0 =	vadd.f32 v44, v0;
	v44 =	vld [tilespmem:$0x1FF10]  }
0xc8: {  	v3 =	vadd.f32 v43, v3;
	v1 =	vadd.f32 v45, v1;
	v45 =	vld [tilespmem:$0x1FF20]  }
0xc9: {  	v2 =	vadd.f32 v46, v2;
	v46 =	vld [tilespmem:$0x1FF30]  }
0xca: {  	v3 =	vadd.f32 v47, v3;
	v47 =	vld [tilespmem:$0x1FF40]  }
0xcb: {  	[tilespmem:$0x1FFF0] =	vst v55;
	v55 =	vld [tilespmem:s17+$0x4F0]  }
0xcc: {  	v0 =	vadd.f32 v48, v0;
	v48 =	vld [tilespmem:$0x1FF50]  }
0xcd: {  	v1 =	vadd.f32 v49, v1;
	v3 =	vadd.f32 v51, v3;
	v49 =	vld [tilespmem:$0x1FF60]  }
0xce: {  	v2 =	vadd.f32 v50, v2;
	v50 =	vld [tilespmem:$0x1FF70]  }
0xcf: {  	v0 =	vadd.f32 v52, v0;
	v3 =	vadd.f32 v44, v3;
	v51 =	vld [tilespmem:$0x1FF80]  }
0xd0: {  	v1 =	vadd.f32 v53, v1;
	v2 =	vadd.f32 v54, v2;
	[tilespmem:$0x1FFD0] =	vst v55;
	v55 =	vld [tilespmem:s17+$0x500]  }
0xd1: {  	v0 =	vadd.f32 v56, v0;
	v3 =	vadd.f32 v45, v3;
	v54 =	vld [tilespmem:$0x1FFB0]  }
0xd2: {  	v1 =	vadd.f32 v57, v1;
	v2 =	vadd.f32 v58, v2;
	v52 =	vld [tilespmem:$0x1FF90]  }
0xd3: {  	v0 =	vadd.f32 v60, v0;
	v3 =	vadd.f32 v46, v3;
	v53 =	vld [tilespmem:$0x1FFA0]  }
0xd4: {  	v1 =	vadd.f32 v61, v1;
	v2 =	vadd.f32 v62, v2;
	v58 =	vld [tilespmem:$0x1FFF0]  }
0xd5: {  	v0 =	vadd.f32 v59, v0;
	v3 =	vadd.f32 v50, v3;
	[tilespmem:$0x1FFE0] =	vst v55;
	v55 =	vld [tilespmem:$0x1FFC0]  }
0xd6: {  	v1 =	vadd.f32 v63, v1;
	v2 =	vadd.f32 v47, v2;
	v56 =	vld [tilespmem:$0x1FFD0]  }
0xd7: {  	v0 =	vadd.f32 v48, v0;
	v3 =	vadd.f32 v54, v3;
	v57 =	vld [tilespmem:$0x1FFE0]  }
0xd8: {  	v36 =	vld [tilespmem:s17+$0xA1D0];
	v1 =	vadd.f32 v49, v1;
	v2 =	vadd.f32 v51, v2  }
0xd9: {  	v37 =	vld [tilespmem:s17+$0xA1E0];
	v0 =	vadd.f32 v52, v0;
	v41 =	vadd.f32 v58, v3  }
0xda: {  	v38 =	vld [tilespmem:s17+$0xA1F0];
	v1 =	vadd.f32 v53, v1;
	v2 =	vadd.f32 v55, v2  }
0xdb: {  	v39 =	vld [tilespmem:s17+$0xA200];
	v59 =	vadd.f32 v5, v41;
	v0 =	vadd.f32 v56, v0  }
0xdc: {  	v40 =	vld [tilespmem:s17+$0xA210];
	v1 =	vadd.f32 v57, v1;
	v4 =	vadd.f32 v4, v2  }
0xdd: {  	v42 =	vld [tilespmem:s17+$0xA220];
	v2 =	vmul.f32 $5.000000070e-02, v0;
	v0 =	vmul.f32 $5.000000070e-02, v59  }
0xde: {  	v43 =	vld [tilespmem:s17+$0xA230];
	v3 =	vmul.f32 $5.000000070e-02, v1;
	v1 =	vmul.f32 $5.000000070e-02, v4  }
0xdf: {  	v44 =	vld [tilespmem:s17+$0xA280];
	v60 =	vmul.f32 v6, v2;
	v62 =	vmul.f32 v10, v2  }
0xe0: {  	v47 =	vld [tilespmem:s17+$0xA340];
	v14 =	vmul.f32 v14, v2;
	v9 =	vmul.f32 v9, v0  }
0xe1: {  	v41 =	vld [tilespmem:s17+$0xA260];
	v51 =	vmul.f32 v13, v0;
	v53 =	vmul.f32 v17, v0  }
0xe2: {  	v4 =	vld [tilespmem:s17+$0xA240];
	v54 =	vmul.f32 v18, v2;
	v56 =	vmul.f32 v22, v2  }
0xe3: {  	v10 =	vld [tilespmem:s17+$0xA290];
	v59 =	vmul.f32 v21, v0;
	v30 =	vmul.f32 v30, v2  }
0xe4: {  	v13 =	vld [tilespmem:s17+$0xA2B0];
	v29 =	vmul.f32 v29, v0;
	v33 =	vmul.f32 v33, v0  }
0xe5: {  	v17 =	vld [tilespmem:s17+$0xA2D0];
	v61 =	vmul.f32 v7, v3;
	v63 =	vmul.f32 v11, v3  }
0xe6: {  	v21 =	vld [tilespmem:s17+$0xA2F0];
	v15 =	vmul.f32 v15, v3;
	v55 =	vmul.f32 v19, v3  }
0xe7: {  	v7 =	vld [tilespmem:s17+$0xA250];
	v57 =	vmul.f32 v23, v3;
	v31 =	vmul.f32 v31, v3  }
0xe8: {  	v11 =	vld [tilespmem:s17+$0xA270];
	v47 =	vmul.f32 v47, v3;
	v8 =	vmul.f32 v8, v1  }
0xe9: {  	v19 =	vld [tilespmem:s17+$0xA2E0];
	v48 =	vmul.f32 v12, v1;
	v50 =	vmul.f32 v16, v1  }
0xea: {  	v23 =	vld [tilespmem:s17+$0xA300];
	v58 =	vmul.f32 v20, v1;
	v45 =	vmul.f32 v28, v1  }
0xeb: {  	v46 =	vmul.f32 v32, v1;
	v32 =	vld [tilespmem:s17+$0xA360];
	v5 =	vadd.f32 v61, v60;
	v6 =	vadd.f32 v63, v62  }
0xec: {  	v49 =	vadd.f32 v15, v14;
	v15 =	vld [tilespmem:s17+$0xA2A0];
	v60 =	vmul.f32 v24, v1;
	v61 =	vmul.f32 v25, v0  }
0xed: {  	v14 =	vld [tilespmem:s17+$0xA2C0];
	v12 =	vadd.f32 v57, v56;
	v62 =	vmul.f32 v26, v2;
	v63 =	vmul.f32 v27, v3  }
0xee: {  	v25 =	vld [tilespmem:s17+$0xA310];
	v18 =	vadd.f32 v31, v30;
	v56 =	vmul.f32 v37, v0;
	v5 =	vadd.f32 v8, v5  }
0xef: {  	v27 =	vld [tilespmem:s17+$0xA320];
	v6 =	vadd.f32 v48, v6;
	v52 =	vadd.f32 v50, v49;
	v48 =	vmul.f32 v34, v2  }
0xf0: {  	v24 =	vld [tilespmem:s17+$0xA330];
	v8 =	vadd.f32 v55, v54;
	v49 =	vmul.f32 v35, v3;
	v50 =	vmul.f32 v38, v2  }
0xf1: {  	v30 =	vld [tilespmem:s17+$0xA350];
	v12 =	vadd.f32 v60, v12;
	v54 =	vmul.f32 v40, v1;
	v4 =	vmul.f32 v4, v3  }
0xf2: {  	v57 =	vld [tilespmem:s17+$0xA390];
	v16 =	vadd.f32 v63, v62;
	v60 =	vmul.f32 v44, v3;
	v10 =	vmul.f32 v10, v1  }
0xf3: {  	v37 =	vld [tilespmem:s17+$0xA3C0];
	v18 =	vadd.f32 v46, v18;
	v62 =	vmul.f32 v13, v2;
	v11 =	vmul.f32 v11, v2  }
0xf4: {  	v31 =	vld [tilespmem:s17+$0xA3E0];
	v7 =	vmul.f32 v7, v1;
	v40 =	vmul.f32 v23, v3;
	v5 =	vadd.f32 v9, v5  }
0xf5: {  	v55 =	vld [tilespmem:s17+$0xA380];
	v19 =	vmul.f32 v19, v0;
	v6 =	vadd.f32 v51, v6;
	v9 =	vadd.f32 v53, v52  }
0xf6: {  	v38 =	vld [tilespmem:s17+$0xA3D0];
	v8 =	vadd.f32 v58, v8;
	v12 =	vadd.f32 v61, v12;
	v51 =	vmul.f32 v39, v3  }
0xf7: {  	v35 =	vld [tilespmem:s17+$0xA4A0];
	v16 =	vadd.f32 v45, v16;
	v52 =	vmul.f32 v36, v1;
	v58 =	vmul.f32 v42, v0  }
0xf8: {  	v20 =	vadd.f32 v49, v48;
	v53 =	vld [tilespmem:s17+$0xA370];
	v61 =	vmul.f32 v41, v0;
	v39 =	vmul.f32 v21, v2  }
0xf9: {  	v18 =	vadd.f32 v33, v18;
	v33 =	vld [tilespmem:s17+$0xA3A0];
	v42 =	vmul.f32 v17, v1;
	v15 =	vmul.f32 v15, v0  }
0xfa: {  	v36 =	vld [tilespmem:s17+$0xA3B0];
	v11 =	vadd.f32 v60, v11;
	v63 =	vmul.f32 v14, v3;
	v44 =	vmul.f32 v25, v1  }
0xfb: {  	v41 =	vld [tilespmem:s17+$0xA400];
	v46 =	vmul.f32 v24, v2;
	v8 =	vadd.f32 v59, v8;
	v22 =	vadd.f32 v51, v50  }
0xfc: {  	v45 =	vld [tilespmem:s17+$0xA420];
	v27 =	vmul.f32 v27, v0;
	v16 =	vadd.f32 v29, v16;
	v20 =	vadd.f32 v52, v20  }
0xfd: {  	v48 =	vld [tilespmem:s17+$0xA430];
	v59 =	vmul.f32 v43, v2;
	v10 =	vadd.f32 v10, v11;
	v11 =	vadd.f32 v40, v39  }
0xfe: {  	v14 =	vld [tilespmem:s17+$0xA3F0];
	v52 =	vmul.f32 v30, v1;
	v13 =	vadd.f32 v47, v46;
	v22 =	vadd.f32 v54, v22  }
0xff: {  	v60 =	vld [tilespmem:s17+$0xA480];
	v50 =	vmul.f32 v55, v3;
	v20 =	vadd.f32 v56, v20;
	v4 =	vadd.f32 v4, v59  }
0x100: {  	v43 =	vld [tilespmem:s17+$0xA410];
	v54 =	vmul.f32 v57, v1;
	v56 =	vmul.f32 v32, v0;
	v10 =	vadd.f32 v15, v10  }
0x101: {  	v51 =	vld [tilespmem:s17+$0xA440];
	v11 =	vadd.f32 v44, v11;
	v49 =	vmul.f32 v53, v2;
	v59 =	vmul.f32 v33, v0  }
0x102: {  	v29 =	vld [tilespmem:s17+$0xA460];
	v55 =	vadd.f32 v52, v13;
	v34 =	vmul.f32 v41, v3;
	v40 =	vmul.f32 v45, v0  }
0x103: {  	v47 =	vld [tilespmem:s17+$0xA500];
	v4 =	vadd.f32 v7, v4;
	v7 =	vadd.f32 v63, v62;
	v62 =	vmul.f32 v37, v3  }
0x104: {  	(xrf2) =	vadd.scan.msk.f32 $0xffff, v5;
	v57 =	vld [tilespmem:s17+$0xA470];
	v22 =	vadd.f32 v58, v22;
	v33 =	vmul.f32 v14, v2;
	v37 =	vmul.f32 v31, v0  }
0x105: {  	(xrf2) =	vadd.scan.msk.f32 $0xffff, v6;
	v53 =	vld [tilespmem:s17+$0xA450];
	v46 =	vmul.f32 v60, v3;
	v15 =	vadd.f32 v50, v49;
	v6 =	vadd.f32 v27, v11  }
0x106: {  	(xrf2) =	vadd.scan.msk.f32 $0xffff, v9;
	v41 =	vld [tilespmem:s17+$0xA4C0];
	v39 =	vmul.f32 v43, v1;
	v43 =	vmul.f32 v51, v3;
	v4 =	vadd.f32 v61, v4  }
0x107: {  	(xrf2) =	vadd.scan.msk.f32 $0xffff, v8;
	v44 =	vld [tilespmem:s17+$0xA4F0];
	v7 =	vadd.f32 v42, v7;
	v61 =	vmul.f32 v36, v2;
	v36 =	vmul.f32 v38, v1  }
0x108: {  	v63 =	vld [tilespmem:s17+$0xA490];
	(xrf2) =	vadd.scan.msk.f32 $0xffff, v12;
	v11 =	vadd.f32 v34, v33;
	v42 =	vmul.f32 v48, v2;
	v58 =	vadd.f32 v54, v15  }
0x109: {  	(xrf2) =	vadd.scan.msk.f32 $0xffff, v16;
	v49 =	vld [tilespmem:s17+$0xA4D0];
	v45 =	vmul.f32 v57, v2;
	v5 =	vadd.f32 v19, v7;
	v7 =	vadd.f32 v56, v55  }
0x10a: {  	v38 =	vld [tilespmem:s17+$0xA4B0];
	(xrf2) =	vadd.scan.msk.f32 $0xffff, v18;
	v9 =	vadd.f32 v62, v61;
	v11 =	vadd.f32 v39, v11;
	v48 =	vmul.f32 v53, v1  }
0x10b: {  	(xrf2) =	vadd.scan.msk.f32 $0xffff, v20;
	v12 =	vadd.f32 v43, v42;
	v55 =	vmul.f32 v29, v0;
	v56 =	vmul.f32 v35, v0  }
0x10c: {  	(xrf2) =	vadd.scan.msk.f32 $0xffff, v22;
	v53 =	vld [tilespmem:s17+$0xA510];
	v61 =	vmul.f32 v41, v3;
	v3 =	vmul.f32 v47, v3;
	v32 =	vadd.f32 v59, v58  }
0x10d: {  	v57 =	vld [tilespmem:s17+$0xA4E0];
	(xrf2) =	vadd.scan.msk.f32 $0xffff, v4;
	v51 =	vadd.f32 v46, v45;
	v52 =	vmul.f32 v63, v1;
	v9 =	vadd.f32 v36, v9  }
0x10e: {  	v62 =	vld [tilespmem:s17+$0xA520];
	v50 =	vadd.f32 v40, v11;
	v19, _, _ =	vpop (xrf2);
	(xrf2) =	vadd.scan.msk.f32 $0xffff, v10;
	v54 =	vadd.f32 v48, v12;
	v27 =	vmul.f32 v49, v1  }
0x10f: {  	v58, _, _ =	vpop (xrf2);
	(xrf2) =	vadd.scan.msk.f32 $0xffff, v5;
	v59 =	vadd.f32 v52, v51;
	v60 =	vmul.f32 v38, v2;
	v2 =	vmul.f32 v44, v2  }
0x110: {  	v9 =	vadd.f32 v37, v9;
	v63, _, _ =	vpop (xrf2);
	(xrf2) =	vadd.scan.msk.f32 $0xffff, v6;
	v24 =	vadd.f32 v55, v54;
	v29 =	vbroadcast v58, $0xF  }
0x111: {  	v25, _, _ =	vpop (xrf2);
	(xrf2) =	vadd.scan.msk.f32 $0xffff, v7;
	v5 =	vadd.f32 v56, v59;
	v26 =	vadd.f32 v61, v60;
	v1 =	vmul.f32 v53, v1  }
0x112: {  	v2 =	vadd.f32 v3, v2;
	v31 =	vbroadcast v63, $0xF;
	v28, _, _ =	vpop (xrf2);
	(xrf2) =	vadd.scan.msk.f32 $0xffff, v32;
	v32 =	vmul.f32 v57, v0  }
0x113: {  	v0 =	vmul.f32 v62, v0;
	v34 =	vbroadcast v25, $0xF;
	v30, _, _ =	vpop (xrf2);
	(xrf2) =	vadd.scan.msk.f32 $0xffff, v9;
	v7 =	vadd.f32 v27, v26  }
0x114: {  	v1 =	vadd.f32 v1, v2;
	v3 =	vsel vm1, v29, v31;
	v37 =	vbroadcast v28, $0xF;
	v33, _, _ =	vpop (xrf2);
	(xrf2) =	vadd.scan.msk.f32 $0xffff, v50  }
0x115: {  	v2 =	vsel vm2, v3, v34;
	v39 =	vbroadcast v30, $0xF;
	v35, _, _ =	vpop (xrf2);
	(xrf2) =	vadd.scan.msk.f32 $0xffff, v24;
	v36 =	vadd.f32 v32, v7  }
0x116: {  	v0 =	vadd.f32 v0, v1;
	v2 =	vsel vm3, v2, v37;
	v41 =	vbroadcast v33, $0xF;
	v38, _, _ =	vpop (xrf2);
	(xrf2) =	vadd.scan.msk.f32 $0xffff, v5  }
0x117: {  	v1 =	vsel vm4, v2, v39;
	v42 =	vbroadcast v35, $0xF;
	v40, _, _ =	vpop (xrf2);
	(xrf2) =	vadd.scan.msk.f32 $0xffff, v36  }
0x118: {  	v1 =	vsel vm5, v1, v41;
	v3 =	vbroadcast v38, $0xF;
	v43, _, _ =	vpop (xrf2);
	(xrf2) =	vadd.scan.msk.f32 $0xffff, v0  }
0x119: {  	v1 =	vsel vm6, v1, v42;
	v46 =	vbroadcast v40, $0xF;
	v44, _, _ =	vpop (xrf2)  }
0x11a: {  	v1 =	vsel vm7, v1, v3;
	v48 =	vbroadcast v43, $0xF;
	v45, _, _ =	vpop (xrf2)  }
0x11b: {  	v1 =	vsel vm8, v1, v46;
	v0 =	vbroadcast v44, $0xF;
	v47, _, _ =	vpop (xrf2)  }
0x11c: {  	v1 =	vsel vm9, v1, v48;
	v51 =	vbroadcast v45, $0xF;
	v49, _, _ =	vpop (xrf2)  }
0x11d: {  	v0 =	vsel vm10, v1, v0;
	v53 =	vbroadcast v47, $0xF;
	v50, _, _ =	vpop (xrf2)  }
0x11e: {  	v55 =	vbroadcast v19, $0xF;
	v0 =	vsel vm11, v0, v51;
	v57 =	vbroadcast v49, $0xF;
	v52, _, _ =	vpop (xrf2)  }
0x11f: {  	vm0 =	vcmask $0x1310;
	v0 =	vsel vm12, v0, v53;
	v2 =	vbroadcast v50, $0xF;
	v54, _, _ =	vpop (xrf2)  }
0x120: {  	v7 =	vnsel vm0, $0x0, v55;
	v0 =	vsel vm13, v0, v57;
	v56, _, _ =	vpop (xrf2);
	v58 =	vbroadcast v54, $0xF  }
0x121: {  	p0 =	sne.s32 s15, $0x27FC0;
	vm0 =	vcmask $0x3F10;
	v0 =	vsel vm14, v0, v2;
	v59, _, _ =	vpop (xrf2);
	v3 =	vbroadcast v56, $0xF  }
.Ltmp0:
0x122: {  	v60 =	vsel vm0, v7, v58;
	v61 =	vbroadcast v59, $0xF;
	v62, _, _ =	vpop (xrf2);
	vm0 =	vcmask $0x310;
	(pc) =	sbr.rel @p0 .LBB2_3-.Ltmp0, $4  }
0x123: {  	v1 =	vsel vm0, v60, v3;
	v63 =	vbroadcast v62, $0xF;
	vm0 =	vcmask $0x710  }
0x124: {  	v0 =	vsel vm15, v0, v52;
	v1 =	vsel vm0, v1, v61;
	vm0 =	vcmask $0xB10  }
0x125: {  	[tilespmem:s16+$0xFFFFFFF0] =	vst v0;
	v1 =	vsel vm0, v1, v63  }
0x126: {  	s5 =	sadd.s32 $0x100, s5;
	s15 =	sadd.s32 $0x1400, s15;
	[tilespmem:s16+$0x0] =	vst v1;
	s16 =	sadd.s32 $0x20, s16  }
0x127: {  	s3 =	sadd.s32 $0x1, s3  }
0x128: {  	s4 =	sshll.u32 s4, $0x2;
	s5 =	rddreg [dreg:$0x4];
	p0 =	sne.s32 s3, $0x10  }
.Ltmp1:
0x129: {  	s18 =	simm.s32 $0x0;
	s4 =	sadd.s32 s5, s4;
	(pc) =	sbr.rel @p0 .LBB2_2-.Ltmp1, $4  }
0x12a: {  	[hbm4b:s4+s18] =	stream.linear.scatter [tilespmem:s2], [sflag:$0x2], $0x400, $0x38;
	[tilespmem:$0x15120] =	vst v63  }
0x12b: {  	_ =	swait.ge [sflag:s11], $0x400  }
0x12c: {  	[sflag:s11] =	ssyncset.done $0x0  }
0x12d: {  	[sflag:s11] =	ssyncadd.s32 $0xFFFFFC00  }
0x12e: {  	s4 =	rddreg [dreg:$0x7]  }
0x12f: {  	s3 =	rddreg [dreg:$0x6];
	s4 =	sadd.s32 $0x1, s4  }
0x130: {  	p0 =	sne.s32 s4, s3  }
.Ltmp2:
0x131: {  	_ = 	snop;
	(pc) =	sbr.rel @p0 .LBB2_1-.Ltmp2, $1  }
0x132: {  	_ =	sdelay $0x3  }
0x133: {  	_ =	sfence.sel $0x180000  }
0x134: {  	[bflag:$0x0] =	sbarrier.arrive $0xFFFF  }
0x135: {  	_ =	strace $0x90000047  }
0x136: {  	s0 =	stileid.u32;
	[bflag:$0x2] =	sbarrier.arrive $0xFFFF  }
0x137: {  	p0 =	sne.s32 s0, $0x0;
	s0 =	rddreg [dreg:$0x5]  }
0x138: {  	s0 =	sadd.s32 @!p0 $0x100000, s0  }
0x139: {  	[sflag:s0] =	ssyncadd.tile.s32 @!p0 $0x1;
	_ =	shalt  }
.Lfunc_end2:
_tile_overlayer_lowered:
.L_overlay_start_2:
0x13a: {  	(tag) =	ssettag $0x2  }
0x13b: {  	s0 =	rddreg [dreg:$0x0];
	s2 =	stileid.u32  }
0x13c: {  	s1 =	rddreg [dreg:$0x1];
	p0 =	sne.s32 s2, $0x0  }
0x13d: {  	s3 =	rddreg [dreg:$0x2];
	[bflag:$0x3] =	sbarrier.arrive $0xFFFF;
	s2 =	simm.s32 @!p0 $0x1C02  }
0x13e: {  	[timem:s3], [sflag:s2] =	dma.local @!p0 [hbm:s0], s1  }
0x13f: {  	s0 =	simm.s32 @!p0 $0x2  }
0x140: {  	_ =	swait.ge @!p0 [sflag:s0], s1  }
0x141: {  	s1 =	ssub.s32 @!p0 $0x0, s1;
	[sflag:s0] =	ssyncset.done @!p0 $0x0  }
0x142: {  	[sflag:s0] =	ssyncadd.s32 @!p0 s1  }
0x143: {  	[bflag:$0x3] =	sbarrier.arrive $0xFFFF  }
0x144: {  	_ =	shalt  }

</sc_bundles>
